<compile_context>
chip_gen: v7x
topology: tpu7x:2x2x1
jax: 0.10.2.dev20260603
libtpu: 0.0.44.dev20260713+nightly
codegen_flags: <defaults>
</compile_context>

<pallas_src>
import functools

import jax
import jax.numpy as jnp
from jax import lax
from jax.experimental import pallas as pl
from jax.experimental.pallas import tpu as pltpu
from jax.experimental.pallas import tpu_sc as plsc

N = 16384
D = 256
K = 8192
BN = 256
BK = 1024
NI = N // BN
NJ = K // BK


SEG = 256
ROUND_COLS = (2816, 5632)


def _argmin_body(x_ref, e_ref, x2_ref, e2_ref, idx_ref, counts_ref):
    i = pl.program_id(0)
    x_blk = x_ref[...]
    e_blk = e_ref[...]

    x2 = x2_ref[...]

    xe = jnp.dot(x_blk, e_blk)
    dist = (x2 - 2.0 * xe) + e2_ref[...]

    def seg_min(lo, hi):
        seg = dist[:, lo:hi]
        m = jnp.min(seg, axis=1, keepdims=True)
        ii = lax.broadcasted_iota(jnp.int32, (BN, hi - lo), 1)
        a = jnp.min(jnp.where(seg == m, ii, K), axis=1, keepdims=True) + lo
        return m, a

    best, bidx = seg_min(0, ROUND_COLS[0])
    for lo, hi in ((ROUND_COLS[0], ROUND_COLS[1]), (ROUND_COLS[1], K)):
        best = best.astype(jnp.bfloat16).astype(jnp.float32)
        m, a = seg_min(lo, hi)
        upd = m < best
        best = jnp.where(upd, m, best)
        bidx = jnp.where(upd, a, bidx)

    idx_ref[...] = bidx
    onehot = (bidx == lax.broadcasted_iota(jnp.int32, (1, K), 1)
              ).astype(jnp.float32)
    c = jnp.sum(onehot, axis=0, keepdims=True)

    @pl.when(i == 0)
    def _():
        counts_ref[...] = c

    @pl.when(i > 0)
    def _():
        counts_ref[...] = counts_ref[...] + c


def _argmin_call(x, emb, x2, e2):
    return pl.pallas_call(
        _argmin_body,
        grid=(NI,),
        in_specs=[
            pl.BlockSpec((BN, D), lambda i: (i, 0)),
            pl.BlockSpec((D, K), lambda i: (0, 0)),
            pl.BlockSpec((BN, 1), lambda i: (i, 0)),
            pl.BlockSpec((1, K), lambda i: (0, 0)),
        ],
        out_specs=[
            pl.BlockSpec((BN, 1), lambda i: (i, 0)),
            pl.BlockSpec((1, K), lambda i: (0, 0)),
        ],
        out_shape=[
            jax.ShapeDtypeStruct((N, 1), jnp.int32),
            jax.ShapeDtypeStruct((1, K), jnp.float32),
        ],
    )(x, emb, x2, e2)


SC_CHUNK = 256
SC_WORKERS = 32
PER_W = N // SC_WORKERS


def _gather_call(emb_t, idx_flat):
    mesh = plsc.VectorSubcoreMesh(core_axis_name="c", subcore_axis_name="s")

    @functools.partial(
        pl.kernel,
        mesh=mesh,
        out_type=jax.ShapeDtypeStruct((N, D), jnp.float32),
        scratch_types=[
            pltpu.VMEM((SC_CHUNK,), jnp.int32),
            pltpu.VMEM((SC_CHUNK, D), jnp.float32),
            pltpu.SemaphoreType.DMA,
        ],
    )
    def gather_k(table_hbm, idx_hbm, out_hbm, idx_v, rows_v, sem):
        wid = lax.axis_index("s") * 2 + lax.axis_index("c")
        base = wid * PER_W
        for c in range(0, PER_W, SC_CHUNK):
            pltpu.sync_copy(idx_hbm.at[pl.ds(base + c, SC_CHUNK)], idx_v)
            pltpu.async_copy(table_hbm.at[idx_v], rows_v, sem).wait()
            pltpu.sync_copy(rows_v, out_hbm.at[pl.ds(base + c, SC_CHUNK)])

    return gather_k(emb_t, idx_flat)


BL = 1024
NL = N // BL


def _loss_body(q_ref, x_ref, counts_ref, loss_ref, perp_ref, acc_ref):
    i = pl.program_id(0)
    d = q_ref[...] - x_ref[...]
    s = jnp.sum(d * d)

    @pl.when(i == 0)
    def _():
        acc_ref[0, 0] = s

    @pl.when(i > 0)
    def _():
        acc_ref[0, 0] = acc_ref[0, 0] + s

    @pl.when(i == NL - 1)
    def _():
        loss_ref[...] = jnp.reshape(2.0 * (acc_ref[0, 0] / (N * D)), (1, 1))
        p = counts_ref[...] / N
        perp_ref[...] = jnp.reshape(
            jnp.exp(-jnp.sum(p * jnp.log(p + 1e-10))), (1, 1))


def _loss_call(q, x, counts):
    return pl.pallas_call(
        _loss_body,
        grid=(NL,),
        in_specs=[
            pl.BlockSpec((BL, D), lambda i: (i, 0)),
            pl.BlockSpec((BL, D), lambda i: (i, 0)),
            pl.BlockSpec((1, K), lambda i: (0, 0)),
        ],
        out_specs=[
            pl.BlockSpec((1, 1), lambda i: (0, 0)),
            pl.BlockSpec((1, 1), lambda i: (0, 0)),
        ],
        out_shape=[
            jax.ShapeDtypeStruct((1, 1), jnp.float32),
            jax.ShapeDtypeStruct((1, 1), jnp.float32),
        ],
        scratch_shapes=[pltpu.SMEM((1, 1), jnp.float32)],
    )(q, x, counts)


def kernel(inpt, emb_mtrx):
    x = inpt.reshape(N, D)
    x2 = jnp.sum(x ** 2, axis=1, keepdims=True)
    e2 = jnp.sum(emb_mtrx ** 2, axis=0, keepdims=True)
    idx, counts = _argmin_call(x, emb_mtrx, x2, e2)
    emb_t = emb_mtrx.T
    q = _gather_call(emb_t, idx.reshape(N))
    loss, perp = _loss_call(q, x, counts)
    return (q.reshape(inpt.shape), loss.reshape(()), perp.reshape(()))

# --- scband reference (transcript-rebuilt; emitter-appended) ---
"""Pipeline reference for scband-quantizer-18485539242752 (READ-ONLY COPY).

The authoritative reference and input builder live on the scoring server;
editing this copy changes nothing except your own understanding.
"""

import jax, jax.numpy as jnp
import numpy as np


def setup_inputs(seed: int = 0) -> dict:
    key = jax.random.key(seed)
    k1, k2 = jax.random.split(key)
    inpt = jax.random.normal(k1, (16, 1024, 256), dtype=jnp.float32)
    # Keras VarianceScaling(distribution='uniform'): scale=1.0, mode='fan_in' -> limit = sqrt(3/fan_in)
    fan_in = 256
    limit = float(np.sqrt(3.0 / fan_in))
    emb_mtrx = jax.random.uniform(k2, (256, 8192), minval=-limit, maxval=limit, dtype=jnp.float32)
    return {"inpt": inpt, "emb_mtrx": emb_mtrx}


def reference(inpt, emb_mtrx):
    nr_emb = emb_mtrx.shape[1]
    b_commitment = 1.0
    x = inpt.reshape(-1, inpt.shape[-1])
    dist = (jnp.sum(x ** 2, axis=1, keepdims=True)
            - 2.0 * (x @ emb_mtrx)
            + jnp.sum(emb_mtrx ** 2, axis=0, keepdims=True))
    idx = jnp.argmax(-dist, axis=1)
    idx_oh = jax.nn.one_hot(idx, nr_emb, dtype=jnp.float32)
    avg_probs = jnp.mean(idx_oh, axis=0)
    perplexity = jnp.exp(-jnp.sum(avg_probs * jnp.log(avg_probs + 1e-10)))
    idx = idx.reshape(inpt.shape[:-1])
    q = jnp.take(emb_mtrx.T, idx, axis=0)
    l_commitment = jnp.mean((jax.lax.stop_gradient(q) - inpt) ** 2)
    l_codebook = jnp.mean((q - jax.lax.stop_gradient(inpt)) ** 2)
    loss = b_commitment * l_commitment + l_codebook
    q = inpt + jax.lax.stop_gradient(q - inpt)
    return (q, loss, perplexity)

if __name__ == "__main__":
    import jax
    _d = setup_inputs()
    print(jax.jit(kernel)(*tuple(_d.values())))

</pallas_src>

<mosaic_0001>
#map = affine_map<(d0, d1) -> (0, 0)>
#map1 = affine_map<(d0, d1) -> (0)>
module attributes {stable_mosaic.version = 14 : i64} {
  func.func @gather_k(%arg0: i32, %arg1: i32, %arg2: memref<8192x256xf32, #tpu.memory_space<hbm>>, %arg3: memref<16384xi32, #tpu.memory_space<hbm>>, %arg4: memref<16384x256xf32, #tpu.memory_space<hbm>>, %arg5: memref<256xi32, #tpu.memory_space<vmem>>, %arg6: memref<256x256xf32, #tpu.memory_space<vmem>>, %arg7: memref<!tpu.dma_semaphore, #tpu.memory_space<semaphore_mem>>) attributes {dimension_semantics = [#tpu.dimension_semantics<core_parallel>, #tpu.dimension_semantics<subcore_parallel>], iteration_bounds = array<i64: 2, 16>, scalar_prefetch = 0 : i64, scratch_operands = 3 : i64, tpu.core_type = #tpu.core_type<sc_vector_subcore>, window_params = [{transform_indices = #map}, {transform_indices = #map1}, {transform_indices = #map}]} {
    %mul3A = arith.constant 2 : i32
    %mul3A_0 = arith.muli %arg1, %mul3A : i32
    %add3A = arith.addi %mul3A_0, %arg0 : i32
    %mul3A_1 = arith.constant 512 : i32
    %mul3A_2 = arith.muli %add3A, %mul3A_1 : i32
    %add3A_3 = arith.constant 0 : i32
    %add3A_4 = arith.addi %mul3A_2, %add3A_3 : i32
    "tpu.region"() ({
      %run_scoped3A = tpu.sem_alloc : memref<!tpu.dma_semaphore, #tpu.memory_space<semaphore_mem>>
      %dma_start3A_21 = tpu.memref_slice %arg3[%add3A_4] : memref<16384xi32, #tpu.memory_space<hbm>> -> memref<256xi32, #tpu.memory_space<hbm>>
      %dma_start3A_22 = tpu.memref_slice %arg3[%add3A_4] : memref<16384xi32, #tpu.memory_space<hbm>> -> memref<256xi32, #tpu.memory_space<hbm>>
      tpu.enqueue_dma source(%dma_start3A_22 : memref<256xi32, #tpu.memory_space<hbm>>) target(%arg5 : memref<256xi32, #tpu.memory_space<vmem>>) target_semaphore(%run_scoped3A : memref<!tpu.dma_semaphore, #tpu.memory_space<semaphore_mem>>)
      %dma_wait3A_23 = tpu.memref_slice %arg3[%add3A_4] : memref<16384xi32, #tpu.memory_space<hbm>> -> memref<256xi32, #tpu.memory_space<hbm>>
      %dma_wait3A_24 = tpu.memref_slice %arg3[%add3A_4] : memref<16384xi32, #tpu.memory_space<hbm>> -> memref<256xi32, #tpu.memory_space<hbm>>
      tpu.wait_dma2 semaphore(%run_scoped3A : memref<!tpu.dma_semaphore, #tpu.memory_space<semaphore_mem>>) src(%dma_wait3A_24 : memref<256xi32, #tpu.memory_space<hbm>>) dst(%arg5 : memref<256xi32, #tpu.memory_space<vmem>>)
      tpu.yield
    }) : () -> ()
    %dma_start3A = arith.constant 0 : i32
    %dma_start3A_5 = arith.constant 0 : i32
    %dma_start3A_6 = tpu.memref_slice %arg2[%dma_start3A, %dma_start3A_5] : memref<8192x256xf32, #tpu.memory_space<hbm>> -> memref<8192x256xf32, #tpu.memory_space<hbm>>
    tpu.enqueue_indirect_dma source(%dma_start3A_6 : memref<8192x256xf32, #tpu.memory_space<hbm>>) target(%arg6 : memref<256x256xf32, #tpu.memory_space<vmem>>) offsets(%arg5 : memref<256xi32, #tpu.memory_space<vmem>>) semaphore(%arg7 : memref<!tpu.dma_semaphore, #tpu.memory_space<semaphore_mem>>)
    %dma_wait3A = arith.constant 0 : i32
    %dma_wait3A_7 = arith.constant 0 : i32
    %dma_wait3A_8 = tpu.memref_slice %arg2[%dma_wait3A, %dma_wait3A_7] : memref<8192x256xf32, #tpu.memory_space<hbm>> -> memref<8192x256xf32, #tpu.memory_space<hbm>>
    tpu.wait_indirect_dma semaphore(%arg7 : memref<!tpu.dma_semaphore, #tpu.memory_space<semaphore_mem>>) src(%dma_wait3A_8 : memref<8192x256xf32, #tpu.memory_space<hbm>>) dst(%arg6 : memref<256x256xf32, #tpu.memory_space<vmem>>)
    %add3A_9 = arith.constant 0 : i32
    %add3A_10 = arith.addi %mul3A_2, %add3A_9 : i32
    "tpu.region"() ({
      %run_scoped3A = tpu.sem_alloc : memref<!tpu.dma_semaphore, #tpu.memory_space<semaphore_mem>>
      %dma_start3A_21 = arith.constant 0 : i32
      %dma_start3A_22 = tpu.memref_slice %arg4[%add3A_10, %dma_start3A_21] : memref<16384x256xf32, #tpu.memory_space<hbm>> -> memref<256x256xf32, #tpu.memory_space<hbm>>
      %dma_start3A_23 = arith.constant 0 : i32
      %dma_start3A_24 = tpu.memref_slice %arg4[%add3A_10, %dma_start3A_23] : memref<16384x256xf32, #tpu.memory_space<hbm>> -> memref<256x256xf32, #tpu.memory_space<hbm>>
      tpu.enqueue_dma source(%arg6 : memref<256x256xf32, #tpu.memory_space<vmem>>) target(%dma_start3A_24 : memref<256x256xf32, #tpu.memory_space<hbm>>) target_semaphore(%run_scoped3A : memref<!tpu.dma_semaphore, #tpu.memory_space<semaphore_mem>>)
      %dma_wait3A_25 = arith.constant 0 : i32
      %dma_wait3A_26 = tpu.memref_slice %arg4[%add3A_10, %dma_wait3A_25] : memref<16384x256xf32, #tpu.memory_space<hbm>> -> memref<256x256xf32, #tpu.memory_space<hbm>>
      %dma_wait3A_27 = arith.constant 0 : i32
      %dma_wait3A_28 = tpu.memref_slice %arg4[%add3A_10, %dma_wait3A_27] : memref<16384x256xf32, #tpu.memory_space<hbm>> -> memref<256x256xf32, #tpu.memory_space<hbm>>
      tpu.wait_dma2 semaphore(%run_scoped3A : memref<!tpu.dma_semaphore, #tpu.memory_space<semaphore_mem>>) src(%arg6 : memref<256x256xf32, #tpu.memory_space<vmem>>) dst(%dma_wait3A_28 : memref<256x256xf32, #tpu.memory_space<hbm>>)
      tpu.yield
    }) : () -> ()
    %add3A_11 = arith.constant 256 : i32
    %add3A_12 = arith.addi %mul3A_2, %add3A_11 : i32
    "tpu.region"() ({
      %run_scoped3A = tpu.sem_alloc : memref<!tpu.dma_semaphore, #tpu.memory_space<semaphore_mem>>
      %dma_start3A_21 = tpu.memref_slice %arg3[%add3A_12] : memref<16384xi32, #tpu.memory_space<hbm>> -> memref<256xi32, #tpu.memory_space<hbm>>
      %dma_start3A_22 = tpu.memref_slice %arg3[%add3A_12] : memref<16384xi32, #tpu.memory_space<hbm>> -> memref<256xi32, #tpu.memory_space<hbm>>
      tpu.enqueue_dma source(%dma_start3A_22 : memref<256xi32, #tpu.memory_space<hbm>>) target(%arg5 : memref<256xi32, #tpu.memory_space<vmem>>) target_semaphore(%run_scoped3A : memref<!tpu.dma_semaphore, #tpu.memory_space<semaphore_mem>>)
      %dma_wait3A_23 = tpu.memref_slice %arg3[%add3A_12] : memref<16384xi32, #tpu.memory_space<hbm>> -> memref<256xi32, #tpu.memory_space<hbm>>
      %dma_wait3A_24 = tpu.memref_slice %arg3[%add3A_12] : memref<16384xi32, #tpu.memory_space<hbm>> -> memref<256xi32, #tpu.memory_space<hbm>>
      tpu.wait_dma2 semaphore(%run_scoped3A : memref<!tpu.dma_semaphore, #tpu.memory_space<semaphore_mem>>) src(%dma_wait3A_24 : memref<256xi32, #tpu.memory_space<hbm>>) dst(%arg5 : memref<256xi32, #tpu.memory_space<vmem>>)
      tpu.yield
    }) : () -> ()
    %dma_start3A_13 = arith.constant 0 : i32
    %dma_start3A_14 = arith.constant 0 : i32
    %dma_start3A_15 = tpu.memref_slice %arg2[%dma_start3A_13, %dma_start3A_14] : memref<8192x256xf32, #tpu.memory_space<hbm>> -> memref<8192x256xf32, #tpu.memory_space<hbm>>
    tpu.enqueue_indirect_dma source(%dma_start3A_15 : memref<8192x256xf32, #tpu.memory_space<hbm>>) target(%arg6 : memref<256x256xf32, #tpu.memory_space<vmem>>) offsets(%arg5 : memref<256xi32, #tpu.memory_space<vmem>>) semaphore(%arg7 : memref<!tpu.dma_semaphore, #tpu.memory_space<semaphore_mem>>)
    %dma_wait3A_16 = arith.constant 0 : i32
    %dma_wait3A_17 = arith.constant 0 : i32
    %dma_wait3A_18 = tpu.memref_slice %arg2[%dma_wait3A_16, %dma_wait3A_17] : memref<8192x256xf32, #tpu.memory_space<hbm>> -> memref<8192x256xf32, #tpu.memory_space<hbm>>
    tpu.wait_indirect_dma semaphore(%arg7 : memref<!tpu.dma_semaphore, #tpu.memory_space<semaphore_mem>>) src(%dma_wait3A_18 : memref<8192x256xf32, #tpu.memory_space<hbm>>) dst(%arg6 : memref<256x256xf32, #tpu.memory_space<vmem>>)
    %add3A_19 = arith.constant 256 : i32
    %add3A_20 = arith.addi %mul3A_2, %add3A_19 : i32
    "tpu.region"() ({
      %run_scoped3A = tpu.sem_alloc : memref<!tpu.dma_semaphore, #tpu.memory_space<semaphore_mem>>
      %dma_start3A_21 = arith.constant 0 : i32
      %dma_start3A_22 = tpu.memref_slice %arg4[%add3A_20, %dma_start3A_21] : memref<16384x256xf32, #tpu.memory_space<hbm>> -> memref<256x256xf32, #tpu.memory_space<hbm>>
      %dma_start3A_23 = arith.constant 0 : i32
      %dma_start3A_24 = tpu.memref_slice %arg4[%add3A_20, %dma_start3A_23] : memref<16384x256xf32, #tpu.memory_space<hbm>> -> memref<256x256xf32, #tpu.memory_space<hbm>>
      tpu.enqueue_dma source(%arg6 : memref<256x256xf32, #tpu.memory_space<vmem>>) target(%dma_start3A_24 : memref<256x256xf32, #tpu.memory_space<hbm>>) target_semaphore(%run_scoped3A : memref<!tpu.dma_semaphore, #tpu.memory_space<semaphore_mem>>)
      %dma_wait3A_25 = arith.constant 0 : i32
      %dma_wait3A_26 = tpu.memref_slice %arg4[%add3A_20, %dma_wait3A_25] : memref<16384x256xf32, #tpu.memory_space<hbm>> -> memref<256x256xf32, #tpu.memory_space<hbm>>
      %dma_wait3A_27 = arith.constant 0 : i32
      %dma_wait3A_28 = tpu.memref_slice %arg4[%add3A_20, %dma_wait3A_27] : memref<16384x256xf32, #tpu.memory_space<hbm>> -> memref<256x256xf32, #tpu.memory_space<hbm>>
      tpu.wait_dma2 semaphore(%run_scoped3A : memref<!tpu.dma_semaphore, #tpu.memory_space<semaphore_mem>>) src(%arg6 : memref<256x256xf32, #tpu.memory_space<vmem>>) dst(%dma_wait3A_28 : memref<256x256xf32, #tpu.memory_space<hbm>>)
      tpu.yield
    }) : () -> ()
    return
  }
}

module attributes {stable_mosaic.version = 14 : i64} {
  func.func @_argmin_body(%arg0: i32, %arg1: memref<256x256xf32, #tpu.memory_space<vmem>>, %arg2: memref<256x8192xf32, #tpu.memory_space<vmem>>, %arg3: memref<256x1xf32, #tpu.memory_space<vmem>>, %arg4: memref<1x8192xf32, #tpu.memory_space<vmem>>, %arg5: memref<256x1xi32, #tpu.memory_space<vmem>>, %arg6: memref<1x8192xf32, #tpu.memory_space<vmem>>) attributes {dimension_semantics = [#tpu.dimension_semantics<arbitrary>], iteration_bounds = array<i64: 64>, scalar_prefetch = 0 : i64, scratch_operands = 0 : i64, tpu.core_type = #tpu.core_type<tc>, window_params = [{transform_indices = @transform_0, window_bounds = array<i64: 256, 256>}, {pipeline_mode = #tpu.pipeline_mode<synchronous>, transform_indices = @transform_1, window_bounds = array<i64: 256, 8192>}, {transform_indices = @transform_2, window_bounds = array<i64: 256, 1>}, {pipeline_mode = #tpu.pipeline_mode<synchronous>, transform_indices = @transform_3, window_bounds = array<i64: 1, 8192>}, {transform_indices = @transform_4, window_bounds = array<i64: 256, 1>}, {pipeline_mode = #tpu.pipeline_mode<synchronous>, transform_indices = @transform_5, window_bounds = array<i64: 1, 8192>}]} {
    %get3A = arith.constant 0 : index
    %get3A_0 = arith.constant 0 : index
    %get3A_1 = vector.load %arg1[%get3A, %get3A_0] : memref<256x256xf32, #tpu.memory_space<vmem>>, vector<256x256xf32>
    %get3A_2 = arith.constant 0 : index
    %get3A_3 = arith.constant 0 : index
    %get3A_4 = vector.load %arg2[%get3A_2, %get3A_3] : memref<256x8192xf32, #tpu.memory_space<vmem>>, vector<256x8192xf32>
    %get3A_5 = arith.constant 0 : index
    %get3A_6 = arith.constant 0 : index
    %get3A_7 = vector.load %arg3[%get3A_5, %get3A_6] : memref<256x1xf32, #tpu.memory_space<vmem>>, vector<256x1xf32>
    %dot_general3A = arith.constant dense<0.000000e+00> : vector<256x8192xf32>
    %dot_general3A_8 = tpu.matmul %get3A_1, %get3A_4, %dot_general3A {dimension_numbers = #tpu.dot_dimension_numbers<[1], [0], [0], [1], [0, 0, 1, 1], [], []>, transpose_lhs_hint = false} : vector<256x256xf32>, vector<256x8192xf32>, vector<256x8192xf32> -> vector<256x8192xf32>
    %mul3A = arith.constant 2.000000e+00 : f32
    %mul3A_9 = vector.broadcast %mul3A : f32 to vector<256x8192xf32>
    %mul3A_10 = arith.mulf %mul3A_9, %dot_general3A_8 : vector<256x8192xf32>
    %sub3A = vector.broadcast %get3A_7 : vector<256x1xf32> to vector<256x8192xf32>
    %sub3A_11 = arith.subf %sub3A, %mul3A_10 : vector<256x8192xf32>
    %get3A_12 = arith.constant 0 : index
    %get3A_13 = arith.constant 0 : index
    %get3A_14 = vector.load %arg4[%get3A_12, %get3A_13] : memref<1x8192xf32, #tpu.memory_space<vmem>>, vector<1x8192xf32>
    %add3A = vector.broadcast %get3A_14 : vector<1x8192xf32> to vector<256x8192xf32>
    %add3A_15 = arith.addf %sub3A_11, %add3A : vector<256x8192xf32>
    %slice3A = vector.extract_strided_slice %add3A_15 {offsets = [0, 0], sizes = [256, 2816], strides = [1, 1]} : vector<256x8192xf32> to vector<256x2816xf32>
    %reduce_min3A = arith.constant dense<0x7F800000> : vector<256xf32>
    %reduce_min3A_16 = vector.multi_reduction <minimumf>, %slice3A, %reduce_min3A [1] : vector<256x2816xf32> to vector<256xf32>
    %broadcast_in_dim3A = vector.shape_cast %reduce_min3A_16 : vector<256xf32> to vector<256x1xf32>
    %iota3A = tpu.iota {dimensions = array<i32: 1>} : vector<256x2816xi32>
    %eq3A = vector.broadcast %broadcast_in_dim3A : vector<256x1xf32> to vector<256x2816xf32>
    %eq3A_17 = arith.cmpf oeq, %slice3A, %eq3A : vector<256x2816xf32>
    %jit3A = arith.constant 8192 : i32
    %broadcast_in_dim3A_18 = vector.broadcast %jit3A : i32 to vector<256x2816xi32>
    %select_n3A = arith.select %eq3A_17, %iota3A, %broadcast_in_dim3A_18 : vector<256x2816xi1>, vector<256x2816xi32>
    %reduce_min3A_19 = arith.constant dense<2147483647> : vector<256xi32>
    %reduce_min3A_20 = vector.multi_reduction <minsi>, %select_n3A, %reduce_min3A_19 [1] : vector<256x2816xi32> to vector<256xi32>
    %broadcast_in_dim3A_21 = vector.shape_cast %reduce_min3A_20 : vector<256xi32> to vector<256x1xi32>
    %add3A_22 = arith.constant 0 : i32
    %add3A_23 = vector.broadcast %add3A_22 : i32 to vector<256x1xi32>
    %add3A_24 = arith.addi %broadcast_in_dim3A_21, %add3A_23 : vector<256x1xi32>
    %convert_element_type3A = arith.truncf %broadcast_in_dim3A : vector<256x1xf32> to vector<256x1xbf16>
    %convert_element_type3A_25 = arith.extf %convert_element_type3A : vector<256x1xbf16> to vector<256x1xf32>
    %slice3A_26 = vector.extract_strided_slice %add3A_15 {offsets = [0, 2816], sizes = [256, 2816], strides = [1, 1]} : vector<256x8192xf32> to vector<256x2816xf32>
    %reduce_min3A_27 = arith.constant dense<0x7F800000> : vector<256xf32>
    %reduce_min3A_28 = vector.multi_reduction <minimumf>, %slice3A_26, %reduce_min3A_27 [1] : vector<256x2816xf32> to vector<256xf32>
    %broadcast_in_dim3A_29 = vector.shape_cast %reduce_min3A_28 : vector<256xf32> to vector<256x1xf32>
    %iota3A_30 = tpu.iota {dimensions = array<i32: 1>} : vector<256x2816xi32>
    %eq3A_31 = vector.broadcast %broadcast_in_dim3A_29 : vector<256x1xf32> to vector<256x2816xf32>
    %eq3A_32 = arith.cmpf oeq, %slice3A_26, %eq3A_31 : vector<256x2816xf32>
    %jit3A_33 = arith.constant 8192 : i32
    %broadcast_in_dim3A_34 = vector.broadcast %jit3A_33 : i32 to vector<256x2816xi32>
    %select_n3A_35 = arith.select %eq3A_32, %iota3A_30, %broadcast_in_dim3A_34 : vector<256x2816xi1>, vector<256x2816xi32>
    %reduce_min3A_36 = arith.constant dense<2147483647> : vector<256xi32>
    %reduce_min3A_37 = vector.multi_reduction <minsi>, %select_n3A_35, %reduce_min3A_36 [1] : vector<256x2816xi32> to vector<256xi32>
    %broadcast_in_dim3A_38 = vector.shape_cast %reduce_min3A_37 : vector<256xi32> to vector<256x1xi32>
    %add3A_39 = arith.constant 2816 : i32
    %add3A_40 = vector.broadcast %add3A_39 : i32 to vector<256x1xi32>
    %add3A_41 = arith.addi %broadcast_in_dim3A_38, %add3A_40 : vector<256x1xi32>
    %lt3A = arith.cmpf olt, %broadcast_in_dim3A_29, %convert_element_type3A_25 : vector<256x1xf32>
    %select_n3A_42 = arith.select %lt3A, %broadcast_in_dim3A_29, %convert_element_type3A_25 : vector<256x1xi1>, vector<256x1xf32>
    %select_n3A_43 = arith.select %lt3A, %add3A_41, %add3A_24 : vector<256x1xi1>, vector<256x1xi32>
    %convert_element_type3A_44 = arith.truncf %select_n3A_42 : vector<256x1xf32> to vector<256x1xbf16>
    %convert_element_type3A_45 = arith.extf %convert_element_type3A_44 : vector<256x1xbf16> to vector<256x1xf32>
    %slice3A_46 = vector.extract_strided_slice %add3A_15 {offsets = [0, 5632], sizes = [256, 2560], strides = [1, 1]} : vector<256x8192xf32> to vector<256x2560xf32>
    %reduce_min3A_47 = arith.constant dense<0x7F800000> : vector<256xf32>
    %reduce_min3A_48 = vector.multi_reduction <minimumf>, %slice3A_46, %reduce_min3A_47 [1] : vector<256x2560xf32> to vector<256xf32>
    %broadcast_in_dim3A_49 = vector.shape_cast %reduce_min3A_48 : vector<256xf32> to vector<256x1xf32>
    %iota3A_50 = tpu.iota {dimensions = array<i32: 1>} : vector<256x2560xi32>
    %eq3A_51 = vector.broadcast %broadcast_in_dim3A_49 : vector<256x1xf32> to vector<256x2560xf32>
    %eq3A_52 = arith.cmpf oeq, %slice3A_46, %eq3A_51 : vector<256x2560xf32>
    %jit3A_53 = arith.constant 8192 : i32
    %broadcast_in_dim3A_54 = vector.broadcast %jit3A_53 : i32 to vector<256x2560xi32>
    %select_n3A_55 = arith.select %eq3A_52, %iota3A_50, %broadcast_in_dim3A_54 : vector<256x2560xi1>, vector<256x2560xi32>
    %reduce_min3A_56 = arith.constant dense<2147483647> : vector<256xi32>
    %reduce_min3A_57 = vector.multi_reduction <minsi>, %select_n3A_55, %reduce_min3A_56 [1] : vector<256x2560xi32> to vector<256xi32>
    %broadcast_in_dim3A_58 = vector.shape_cast %reduce_min3A_57 : vector<256xi32> to vector<256x1xi32>
    %add3A_59 = arith.constant 5632 : i32
    %add3A_60 = vector.broadcast %add3A_59 : i32 to vector<256x1xi32>
    %add3A_61 = arith.addi %broadcast_in_dim3A_58, %add3A_60 : vector<256x1xi32>
    %lt3A_62 = arith.cmpf olt, %broadcast_in_dim3A_49, %convert_element_type3A_45 : vector<256x1xf32>
    %select_n3A_63 = arith.select %lt3A_62, %add3A_61, %select_n3A_43 : vector<256x1xi1>, vector<256x1xi32>
    %swap3A = arith.constant 0 : index
    %swap3A_64 = arith.constant 0 : index
    %swap3A_65 = vector.load %arg5[%swap3A, %swap3A_64] : memref<256x1xi32, #tpu.memory_space<vmem>>, vector<256x1xi32>
    tpu.vector_store %arg5[%swap3A, %swap3A_64], %select_n3A_63 {strides = array<i32>} : memref<256x1xi32, #tpu.memory_space<vmem>>, vector<256x1xi32>,
    %iota3A_66 = tpu.iota {dimensions = array<i32: 1>} : vector<1x8192xi32>
    %eq3A_67 = vector.broadcast %select_n3A_63 : vector<256x1xi32> to vector<256x8192xi32>
    %eq3A_68 = vector.broadcast %iota3A_66 : vector<1x8192xi32> to vector<256x8192xi32>
    %eq3A_69 = arith.cmpi eq, %eq3A_67, %eq3A_68 : vector<256x8192xi32>
    %convert_element_type3A_70 = arith.extui %eq3A_69 : vector<256x8192xi1> to vector<256x8192xi32>
    %convert_element_type3A_71 = arith.sitofp %convert_element_type3A_70 : vector<256x8192xi32> to vector<256x8192xf32>
    %reduce_sum3A = arith.constant dense<0.000000e+00> : vector<8192xf32>
    %reduce_sum3A_72 = vector.multi_reduction <add>, %convert_element_type3A_71, %reduce_sum3A [0] : vector<256x8192xf32> to vector<8192xf32>
    %broadcast_in_dim3A_73 = vector.shape_cast %reduce_sum3A_72 : vector<8192xf32> to vector<1x8192xf32>
    %eq3A_74 = arith.constant 0 : i32
    %eq3A_75 = arith.cmpi eq, %arg0, %eq3A_74 : i32
    %convert_element_type3A_76 = arith.extui %eq3A_75 : i1 to i32
    %cond3A = arith.constant 0 : i32
    %cond3A_77 = arith.cmpi ne, %convert_element_type3A_76, %cond3A : i32
    scf.if %cond3A_77 {
      %swap3A_82 = arith.constant 0 : index
      %swap3A_83 = arith.constant 0 : index
      %swap3A_84 = vector.load %arg6[%swap3A_82, %swap3A_83] : memref<1x8192xf32, #tpu.memory_space<vmem>>, vector<1x8192xf32>
      tpu.vector_store %arg6[%swap3A_82, %swap3A_83], %broadcast_in_dim3A_73 {strides = array<i32>} : memref<1x8192xf32, #tpu.memory_space<vmem>>, vector<1x8192xf32>,
    } else {
    }
    %gt3A = arith.constant 0 : i32
    %gt3A_78 = arith.cmpi sgt, %arg0, %gt3A : i32
    %convert_element_type3A_79 = arith.extui %gt3A_78 : i1 to i32
    %cond3A_80 = arith.constant 0 : i32
    %cond3A_81 = arith.cmpi ne, %convert_element_type3A_79, %cond3A_80 : i32
    scf.if %cond3A_81 {
      %get3A_82 = arith.constant 0 : index
      %get3A_83 = arith.constant 0 : index
      %get3A_84 = vector.load %arg6[%get3A_82, %get3A_83] : memref<1x8192xf32, #tpu.memory_space<vmem>>, vector<1x8192xf32>
      %add3A_85 = arith.addf %get3A_84, %broadcast_in_dim3A_73 : vector<1x8192xf32>
      %swap3A_86 = arith.constant 0 : index
      %swap3A_87 = arith.constant 0 : index
      %swap3A_88 = vector.load %arg6[%swap3A_86, %swap3A_87] : memref<1x8192xf32, #tpu.memory_space<vmem>>, vector<1x8192xf32>
      tpu.vector_store %arg6[%swap3A_86, %swap3A_87], %add3A_85 {strides = array<i32>} : memref<1x8192xf32, #tpu.memory_space<vmem>>, vector<1x8192xf32>,
    } else {
    }
    return
  }
  func.func @transform_0(%arg0: i32) -> (i32, i32) {
    %c0_i32 = arith.constant 0 : i32
    %c0_i32_0 = arith.constant 0 : i32
    return %arg0, %c0_i32 : i32, i32
  }
  func.func @transform_1(%arg0: i32) -> (i32, i32) {
    %c0_i32 = arith.constant 0 : i32
    %c0_i32_0 = arith.constant 0 : i32
    %c0_i32_1 = arith.constant 0 : i32
    return %c0_i32, %c0_i32_0 : i32, i32
  }
  func.func @transform_2(%arg0: i32) -> (i32, i32) {
    %c0_i32 = arith.constant 0 : i32
    %c0_i32_0 = arith.constant 0 : i32
    return %arg0, %c0_i32 : i32, i32
  }
  func.func @transform_3(%arg0: i32) -> (i32, i32) {
    %c0_i32 = arith.constant 0 : i32
    %c0_i32_0 = arith.constant 0 : i32
    %c0_i32_1 = arith.constant 0 : i32
    return %c0_i32, %c0_i32_0 : i32, i32
  }
  func.func @transform_4(%arg0: i32) -> (i32, i32) {
    %c0_i32 = arith.constant 0 : i32
    %c0_i32_0 = arith.constant 0 : i32
    return %arg0, %c0_i32 : i32, i32
  }
  func.func @transform_5(%arg0: i32) -> (i32, i32) {
    %c0_i32 = arith.constant 0 : i32
    %c0_i32_0 = arith.constant 0 : i32
    %c0_i32_1 = arith.constant 0 : i32
    return %c0_i32, %c0_i32_0 : i32, i32
  }
}

module attributes {stable_mosaic.version = 14 : i64} {
  func.func @_loss_body(%arg0: i32, %arg1: memref<1024x256xf32, #tpu.memory_space<vmem>>, %arg2: memref<1024x256xf32, #tpu.memory_space<vmem>>, %arg3: memref<1x8192xf32, #tpu.memory_space<vmem>>, %arg4: memref<1x1xf32, #tpu.memory_space<vmem>>, %arg5: memref<1x1xf32, #tpu.memory_space<vmem>>, %arg6: memref<1x1xf32, #tpu.memory_space<smem>>) attributes {dimension_semantics = [#tpu.dimension_semantics<arbitrary>], iteration_bounds = array<i64: 16>, scalar_prefetch = 0 : i64, scratch_operands = 1 : i64, tpu.core_type = #tpu.core_type<tc>, window_params = [{transform_indices = @transform_0, window_bounds = array<i64: 1024, 256>}, {transform_indices = @transform_1, window_bounds = array<i64: 1024, 256>}, {pipeline_mode = #tpu.pipeline_mode<synchronous>, transform_indices = @transform_2, window_bounds = array<i64: 1, 8192>}, {pipeline_mode = #tpu.pipeline_mode<synchronous>, transform_indices = @transform_3, window_bounds = array<i64: 1, 1>}, {pipeline_mode = #tpu.pipeline_mode<synchronous>, transform_indices = @transform_4, window_bounds = array<i64: 1, 1>}]} {
    %get3A = arith.constant 0 : index
    %get3A_0 = arith.constant 0 : index
    %get3A_1 = vector.load %arg1[%get3A, %get3A_0] : memref<1024x256xf32, #tpu.memory_space<vmem>>, vector<1024x256xf32>
    %get3A_2 = arith.constant 0 : index
    %get3A_3 = arith.constant 0 : index
    %get3A_4 = vector.load %arg2[%get3A_2, %get3A_3] : memref<1024x256xf32, #tpu.memory_space<vmem>>, vector<1024x256xf32>
    %sub3A = arith.subf %get3A_1, %get3A_4 : vector<1024x256xf32>
    %mul3A = arith.mulf %sub3A, %sub3A : vector<1024x256xf32>
    %reduce_sum3A = vector.shape_cast %mul3A : vector<1024x256xf32> to vector<1x1024x256xf32>
    %reduce_sum3A_5 = arith.constant dense<0.000000e+00> : vector<1xf32>
    %reduce_sum3A_6 = vector.multi_reduction <add>, %reduce_sum3A, %reduce_sum3A_5 [1, 2] : vector<1x1024x256xf32> to vector<1xf32>
    %reduce_sum3A_7 = vector.shape_cast %reduce_sum3A_6 : vector<1xf32> to vector<1x1x1xf32>
    %reduce_sum3A_8 = vector.extract %reduce_sum3A_7[0, 0, 0] : f32 from vector<1x1x1xf32>
    %eq3A = arith.constant 0 : i32
    %eq3A_9 = arith.cmpi eq, %arg0, %eq3A : i32
    %convert_element_type3A = arith.extui %eq3A_9 : i1 to i32
    %cond3A = arith.constant 0 : i32
    %cond3A_10 = arith.cmpi ne, %convert_element_type3A, %cond3A : i32
    scf.if %cond3A_10 {
      %swap3A = arith.constant 0 : index
      %swap3A_20 = arith.constant 0 : index
      %swap3A_21 = memref.load %arg6[%swap3A, %swap3A_20] : memref<1x1xf32, #tpu.memory_space<smem>>
      memref.store %reduce_sum3A_8, %arg6[%swap3A, %swap3A_20] : memref<1x1xf32, #tpu.memory_space<smem>>
    } else {
    }
    %gt3A = arith.constant 0 : i32
    %gt3A_11 = arith.cmpi sgt, %arg0, %gt3A : i32
    %convert_element_type3A_12 = arith.extui %gt3A_11 : i1 to i32
    %cond3A_13 = arith.constant 0 : i32
    %cond3A_14 = arith.cmpi ne, %convert_element_type3A_12, %cond3A_13 : i32
    scf.if %cond3A_14 {
      %get3A_20 = arith.constant 0 : index
      %get3A_21 = arith.constant 0 : index
      %get3A_22 = memref.load %arg6[%get3A_20, %get3A_21] : memref<1x1xf32, #tpu.memory_space<smem>>
      %add3A = arith.addf %get3A_22, %reduce_sum3A_8 : f32
      %swap3A = arith.constant 0 : index
      %swap3A_23 = arith.constant 0 : index
      %swap3A_24 = memref.load %arg6[%swap3A, %swap3A_23] : memref<1x1xf32, #tpu.memory_space<smem>>
      memref.store %add3A, %arg6[%swap3A, %swap3A_23] : memref<1x1xf32, #tpu.memory_space<smem>>
    } else {
    }
    %eq3A_15 = arith.constant 15 : i32
    %eq3A_16 = arith.cmpi eq, %arg0, %eq3A_15 : i32
    %convert_element_type3A_17 = arith.extui %eq3A_16 : i1 to i32
    %cond3A_18 = arith.constant 0 : i32
    %cond3A_19 = arith.cmpi ne, %convert_element_type3A_17, %cond3A_18 : i32
    scf.if %cond3A_19 {
      %get3A_20 = arith.constant 0 : index
      %get3A_21 = arith.constant 0 : index
      %get3A_22 = memref.load %arg6[%get3A_20, %get3A_21] : memref<1x1xf32, #tpu.memory_space<smem>>
      %div3A = arith.constant 0x4A800000 : f32
      %div3A_23 = arith.divf %get3A_22, %div3A : f32
      %mul3A_24 = arith.constant 2.000000e+00 : f32
      %mul3A_25 = arith.mulf %mul3A_24, %div3A_23 : f32
      %reshape3A = vector.broadcast %mul3A_25 : f32 to vector<1x1xf32>
      %swap3A = arith.constant 0 : index
      %swap3A_26 = arith.constant 0 : index
      %swap3A_27 = vector.load %arg4[%swap3A, %swap3A_26] : memref<1x1xf32, #tpu.memory_space<vmem>>, vector<1x1xf32>
      tpu.vector_store %arg4[%swap3A, %swap3A_26], %reshape3A {strides = array<i32>} : memref<1x1xf32, #tpu.memory_space<vmem>>, vector<1x1xf32>,
      %get3A_28 = arith.constant 0 : index
      %get3A_29 = arith.constant 0 : index
      %get3A_30 = vector.load %arg3[%get3A_28, %get3A_29] : memref<1x8192xf32, #tpu.memory_space<vmem>>, vector<1x8192xf32>
      %div3A_31 = arith.constant 1.638400e+04 : f32
      %div3A_32 = vector.broadcast %div3A_31 : f32 to vector<1x8192xf32>
      %div3A_33 = arith.divf %get3A_30, %div3A_32 : vector<1x8192xf32>
      %add3A = arith.constant 1.000000e-10 : f32
      %add3A_34 = vector.broadcast %add3A : f32 to vector<1x8192xf32>
      %add3A_35 = arith.addf %div3A_33, %add3A_34 : vector<1x8192xf32>
      %log3A = math.log %add3A_35 : vector<1x8192xf32>
      %mul3A_36 = arith.mulf %div3A_33, %log3A : vector<1x8192xf32>
      %reduce_sum3A_37 = vector.shape_cast %mul3A_36 : vector<1x8192xf32> to vector<1x1x8192xf32>
      %reduce_sum3A_38 = arith.constant dense<0.000000e+00> : vector<1xf32>
      %reduce_sum3A_39 = vector.multi_reduction <add>, %reduce_sum3A_37, %reduce_sum3A_38 [1, 2] : vector<1x1x8192xf32> to vector<1xf32>
      %reduce_sum3A_40 = vector.shape_cast %reduce_sum3A_39 : vector<1xf32> to vector<1x1x1xf32>
      %reduce_sum3A_41 = vector.extract %reduce_sum3A_40[0, 0, 0] : f32 from vector<1x1x1xf32>
      %neg3A = arith.constant 0.000000e+00 : f32
      %neg3A_42 = arith.subf %neg3A, %reduce_sum3A_41 : f32
      %exp3A = math.exp %neg3A_42 : f32
      %reshape3A_43 = vector.broadcast %exp3A : f32 to vector<1x1xf32>
      %swap3A_44 = arith.constant 0 : index
      %swap3A_45 = arith.constant 0 : index
      %swap3A_46 = vector.load %arg5[%swap3A_44, %swap3A_45] : memref<1x1xf32, #tpu.memory_space<vmem>>, vector<1x1xf32>
      tpu.vector_store %arg5[%swap3A_44, %swap3A_45], %reshape3A_43 {strides = array<i32>} : memref<1x1xf32, #tpu.memory_space<vmem>>, vector<1x1xf32>,
    } else {
    }
    return
  }
  func.func @transform_0(%arg0: i32) -> (i32, i32) {
    %c0_i32 = arith.constant 0 : i32
    %c0_i32_0 = arith.constant 0 : i32
    return %arg0, %c0_i32 : i32, i32
  }
  func.func @transform_1(%arg0: i32) -> (i32, i32) {
    %c0_i32 = arith.constant 0 : i32
    %c0_i32_0 = arith.constant 0 : i32
    return %arg0, %c0_i32 : i32, i32
  }
  func.func @transform_2(%arg0: i32) -> (i32, i32) {
    %c0_i32 = arith.constant 0 : i32
    %c0_i32_0 = arith.constant 0 : i32
    %c0_i32_1 = arith.constant 0 : i32
    return %c0_i32, %c0_i32_0 : i32, i32
  }
  func.func @transform_3(%arg0: i32) -> (i32, i32) {
    %c0_i32 = arith.constant 0 : i32
    %c0_i32_0 = arith.constant 0 : i32
    %c0_i32_1 = arith.constant 0 : i32
    return %c0_i32, %c0_i32_0 : i32, i32
  }
  func.func @transform_4(%arg0: i32) -> (i32, i32) {
    %c0_i32 = arith.constant 0 : i32
    %c0_i32_0 = arith.constant 0 : i32
    %c0_i32_1 = arith.constant 0 : i32
    return %c0_i32, %c0_i32_0 : i32, i32
  }
}

</mosaic_0001>

<sc_bundles>
// kernel: kernel.5.cloned.1.call-start
scs
__scs_entry_jumppad:
0x0: {  	(pc) =	sbr.rel $0x88, $3  }
0x1: {  	(tag) =	ssettag $0x0;
	lr =	simm.s32 $0x1  }
0x2: {  	[smem:$0x3F9F] =	sst lr;
	_ =	strace $0xD0000000  }
0x3: {  	_ = 	snop  }
0x4: {  	_ = 	snop  }
0x5: {  	_ = 	snop  }
0x6: {  	_ = 	snop  }
0x7: {  	_ = 	snop  }
__scs_overlays_trampoline_lowered:
0x8: {  	[smem:$0x3FAE] =	sst s0  }
0x9: {  	[smem:$0x3FAF] =	sst s1  }
0xa: {  	[smem:$0x3FB0] =	sst s2  }
0xb: {  	[smem:$0x3FB1] =	sst s3  }
0xc: {  	[smem:$0x3FB2] =	sst s4  }
0xd: {  	[smem:$0x3FB3] =	sst s5  }
0xe: {  	[smem:$0x3FB4] =	sst s6  }
0xf: {  	[smem:$0x3FB5] =	sst s7  }
0x10: {  	[smem:$0x3FB6] =	sst s8  }
0x11: {  	[smem:$0x3FB7] =	sst s9;
	s0 =	simm.s32 @!p0 $0x0  }
0x12: {  	s1 =	sld [smem:$0x3F9D];
	s0 =	simm.s32 @p0 $0x1  }
0x13: {  	[smem:$0x3FB8] =	sst s0;
	s0 =	simm.s32 @!p1 $0x0  }
0x14: {  	s2 =	sld [smem:$0x3F9C];
	s0 =	simm.s32 @p1 $0x1  }
0x15: {  	[smem:$0x3FB9] =	sst s0;
	s0 =	simm.s32 @!p2 $0x0  }
0x16: {  	s3 =	sld [smem:$0x3FDB];
	s0 =	simm.s32 @p2 $0x1  }
0x17: {  	s4 =	simm.s32 $0x1BF5;
	[smem:$0x3FBB] =	sst s0  }
0x18: {  	s0 =	sld [smem:$0x3F9E];
	_ =	swait.ge [sflag:s4], $0x0  }
0x19: {  	s7 =	sld [smem:$0x3F9F]  }
0x1a: {  	s8 =	sadd.s32 $0xFFFFE003, lr  }
0x1b: {  	s9 =	sadd.s32 $0xFFFFFEF7, lr;
	s5 =	simm.s32 $0xFFFFFFFF;
	p2 =	slt.u32 s8, $0xFFFFF086  }
0x1c: {  	p1 =	slt.u32 s9, $0xF7A;
	s5 =	simm.s32 @!p2 $0x0  }
0x1d: {  	s5 =	simm.s32 @p1 $0x1;
	p0 =	seq.s32 s7, s2  }
0x1e: {  	s7 =	smul.u32 @!p0 $0xF7A, s2;
	p2 =	seq.s32 @!p0 s5, $0x0  }
0x1f: {  	s9 =	smul.u32 $0xF7A, s1;
	s8 =	simm.s32 @!p0 $0x1BF5;
	p2 =	por !p2, p0  }
0x20: {  	[sflag:s8] =	ssyncset.s32 @!p0 $0xFFFFF086;
	s6 =	sadd.s32 @!p0 s3, s7;
	s7 =	simm.s32 @!p0 $0x108  }
0x21: {  	s3 =	sadd.s32 s3, s9;
	s6 =	sadd.s32 @!p0 $0x88, s6;
	s7 =	simm.s32 @p2 $0x1082  }
0x22: {  	[simem:s7], [sflag:s8] =	dma.local @!p0 [hbm:s6], $0xF7A  }
0x23: {  	s9 =	sor.u32 $0xD0000000, s2;
	s6 =	simm.s32 $0x108;
	_ =	swait.ge @!p0 [sflag:s8], $0x0  }
0x24: {  	s3 =	sadd.s32 $0x88, s3;
	s6 =	simm.s32 @!p1 $0x1082;
	[sflag:s4] =	ssyncset.s32 $0xFFFFF086  }
0x25: {  	[simem:s6], [sflag:s4] =	dma.local [hbm:s3], $0xF7A  }
0x26: {  	[smem:$0x3F9F] =	sst s1;
	(tag) =	ssettag s2;
	_ =	strace s9  }
0x27: {  	s1 =	sld [smem:$0x3FAF]  }
0x28: {  	s2 =	sld [smem:$0x3FB0]  }
0x29: {  	s4 =	sld [smem:$0x3FB2]  }
0x2a: {  	p0 =	seq.s32 s5, $0x0;
	s5 =	sld [smem:$0x3FB3]  }
0x2b: {  	s6 =	sld [smem:$0x3FB4]  }
0x2c: {  	s7 =	sld [smem:$0x3FB5]  }
0x2d: {  	s3 =	simm.s32 $0x108;
	s8 =	sld [smem:$0x3FB6]  }
0x2e: {  	s3 =	simm.s32 @!p0 $0x1082;
	s9 =	sld [smem:$0x3FB7]  }
0x2f: {  	lr =	sadd.s32 s0, s3;
	s0 =	sld [smem:$0x3FAE]  }
0x30: {  	s3 =	sld [smem:$0x3FB1]  }
0x31: {  	[smem:$0x3FBA] =	sst s10  }
0x32: {  	s10 =	sld [smem:$0x3FB8];
	_ =	sdelay $0x3  }
0x33: {  	p0 =	seq.s32 s10, $0x1;
	s10 =	sld [smem:$0x3FBA];
	_ =	sdelay $0x3  }
0x34: {  	[smem:$0x3FBA] =	sst s10  }
0x35: {  	s10 =	sld [smem:$0x3FB9];
	_ =	sdelay $0x3  }
0x36: {  	p1 =	seq.s32 s10, $0x1;
	s10 =	sld [smem:$0x3FBA];
	_ =	sdelay $0x3  }
0x37: {  	[smem:$0x3FBA] =	sst s10  }
0x38: {  	s10 =	sld [smem:$0x3FBB]  }
0x39: {  	_ = 	snop;
	(pc) =	sbr.ind lr, $3  }
0x3a: {  	_ = 	snop  }
0x3b: {  	_ = 	snop  }
0x3c: {  	p2 =	seq.s32 s10, $0x1;
	s10 =	sld [smem:$0x3FBA]  }
0x3d: {  	_ =	shalt  }
0x3e: {  	_ =	shalt  }
0x3f: {  	_ =	shalt  }
0x40: {  	_ =	shalt  }
0x41: {  	_ =	shalt  }
0x42: {  	_ =	shalt  }
0x43: {  	_ =	shalt  }
0x44: {  	_ =	shalt  }
0x45: {  	_ =	shalt  }
0x46: {  	_ =	shalt  }
0x47: {  	_ =	shalt  }
0x48: {  	_ =	shalt  }
0x49: {  	_ =	shalt  }
0x4a: {  	_ =	shalt  }
0x4b: {  	_ =	shalt  }
0x4c: {  	_ =	shalt  }
0x4d: {  	_ =	shalt  }
0x4e: {  	_ =	shalt  }
0x4f: {  	_ =	shalt  }
0x50: {  	_ =	shalt  }
0x51: {  	_ =	shalt  }
0x52: {  	_ =	shalt  }
0x53: {  	_ =	shalt  }
0x54: {  	_ =	shalt  }
0x55: {  	_ =	shalt  }
0x56: {  	_ =	shalt  }
0x57: {  	_ =	shalt  }
0x58: {  	_ =	shalt  }
0x59: {  	_ =	shalt  }
0x5a: {  	_ =	shalt  }
0x5b: {  	_ =	shalt  }
0x5c: {  	_ =	shalt  }
0x5d: {  	_ =	shalt  }
0x5e: {  	_ =	shalt  }
0x5f: {  	_ =	shalt  }
0x60: {  	_ =	shalt  }
0x61: {  	_ =	shalt  }
0x62: {  	_ =	shalt  }
0x63: {  	_ =	shalt  }
0x64: {  	_ =	shalt  }
0x65: {  	_ =	shalt  }
0x66: {  	_ =	shalt  }
0x67: {  	_ =	shalt  }
0x68: {  	_ =	shalt  }
0x69: {  	_ =	shalt  }
0x6a: {  	_ =	shalt  }
0x6b: {  	_ =	shalt  }
0x6c: {  	_ =	shalt  }
0x6d: {  	_ =	shalt  }
0x6e: {  	_ =	shalt  }
0x6f: {  	_ =	shalt  }
0x70: {  	_ =	shalt  }
0x71: {  	_ =	shalt  }
0x72: {  	_ =	shalt  }
0x73: {  	_ =	shalt  }
0x74: {  	_ =	shalt  }
0x75: {  	_ =	shalt  }
0x76: {  	_ =	shalt  }
0x77: {  	_ =	shalt  }
0x78: {  	_ =	shalt  }
0x79: {  	_ =	shalt  }
0x7a: {  	_ =	shalt  }
0x7b: {  	_ =	shalt  }
0x7c: {  	_ =	shalt  }
0x7d: {  	_ =	shalt  }
0x7e: {  	_ =	shalt  }
0x7f: {  	_ =	shalt  }
0x80: {  	_ =	shalt  }
0x81: {  	_ =	shalt  }
0x82: {  	_ =	shalt  }
0x83: {  	_ =	shalt  }
0x84: {  	_ =	shalt  }
0x85: {  	_ =	shalt  }
0x86: {  	_ =	shalt  }
0x87: {  	_ =	shalt  }
.Lfunc_end0:
.L_simem_size_0:
called_computation_lowered:
.L_overlay_start_0:
0x88: {  	s2 =	sld [smem:$0x3FD9]  }
0x89: {  	s3 =	sld [smem:$0x3FFE];
	_ =	sdelay $0x1  }
0x8a: {  	s1 =	srdreg.scid  }
0x8b: {  	s0 =	sand.u32 $0x1, s1  }
0x8c: {  	s14 =	sshll.u32 s0, $0xA;
	s2 =	sadd.s32 s3, s2  }
0x8d: {  	s2 =	sadd.s32 s2, s14  }
0x8e: {  	[smem:$0x3FC6] =	sst s2  }
0x8f: {  	_ = 	snop  }
0x90: {  	s2 =	sld [smem:$0x3FD0];
	_ =	sdelay $0x2  }
0x91: {  	s15 =	simm.s32 $0xA;
	s4 =	simm.s32 $0x10  }
0x92: {  	[smem:s4], [sflag:s15] =	dma.local [hbm:s2], $0x1  }
0x93: {  	_ =	swait.eq [sflag:s15], $0x1  }
0x94: {  	[sflag:s15] =	ssyncset.done $0x0  }
0x95: {  	[sflag:s15] =	ssyncadd.s32 $0xFFFFFFFF  }
0x96: {  	s16 =	sld [smem:$0x10];
	(tm) =	ssettm $0x1  }
0x97: {  	s17 =	sld [smem:$0x3FFB];
	_ =	sdelay $0x3  }
0x98: {  	_ =	strace s17  }
0x99: {  	s3 =	sld [smem:$0x3FFC];
	_ =	sdelay $0x3  }
0x9a: {  	_ =	strace s3  }
0x9b: {  	s3 =	sld [smem:$0x3FFD];
	_ =	sdelay $0x3  }
0x9c: {  	_ =	strace s3  }
0x9d: {  	_ =	strace $0x8FFFFFFF  }
0x9e: {  	s18 =	sld [smem:$0x3FDB];
	_ =	sdelay $0x1  }
0x9f: {  	s19 =	simm.s32 $_scs_section_size  }
0xa0: {  	s5 =	simm.s32 $_size__tile_overlayer_lowered;
	s6 =	simm.s32 $_tile_overlayer_lowered  }
0xa1: {  	s22 =	simm.s32 $0x1BFF;
	s21 =	sshll.u32 s6, $0x1;
	s3 =	sadd.s32 s19, s18  }
0xa2: {  	s7 =	simm.s32 $0x0;
	s20 =	sshll.u32 s5, $0x1;
	s5 =	sadd.s32 s21, s3  }
0xa3: {  	[timem:s7], [sflag:s22] =	dma.local [hbm:s5], s20  }
0xa4: {  	_ =	swait.ge [sflag:s22], s20  }
0xa5: {  	s4 =	ssub.s32 $0x0, s20;
	[sflag:s22] =	ssyncset.done $0x0  }
0xa6: {  	[sflag:s22] =	ssyncadd.s32 s4;
	_ =	sdelay $0x1  }
0xa7: {  	s23 =	simm.s32 $0x1B8B  }
0xa8: {  	_ =	swait.ge [sflag:s23], $0x1  }
0xa9: {  	[sflag:s23] =	ssyncset.done $0x0  }
0xaa: {  	s25 =	simm.s32 $0x1B8E;
	s24 =	sld [smem:$0x3FFE];
	[sflag:s23] =	ssyncadd.s32 $0xFFFFFFFF  }
0xab: {  	s26 =	simm.s32 $execute0_lowered;
	[smem:$0x3FD2] =	sst s25  }
0xac: {  	s5 =	sshll.u32 s26, $0x1;
	_ =	strace $0x80000046;
	[dreg:$0x1] =	wrdreg $0xFFFFFFFF  }
0xad: {  	s28 =	simm.s32 $_size_execute0_lowered;
	s3 =	sadd.s32 s3, s5;
	[dreg:$0x0] =	wrdreg $0x0  }
0xae: {  	s5 =	sshll.u32 s28, $0x1;
	[dreg:$0x2] =	wrdreg s3  }
0xaf: {  	[dreg:$0x3] =	wrdreg s5  }
0xb0: {  	[dreg:$0x4] =	wrdreg $0xC0  }
0xb1: {  	_ =	task [dreg:s7], $0x5FFFF  }
0xb2: {  	[dreg:$0x1] =	wrdreg $0xFFFFFFFF  }
0xb3: {  	[dreg:$0x0] =	wrdreg $0x60  }
0xb4: {  	[dreg:$0x2] =	wrdreg s24  }
0xb5: {  	[dreg:$0x3] =	wrdreg s16  }
0xb6: {  	[dreg:$0x4] =	wrdreg $0x9  }
0xb7: {  	_ =	task.clear_ibuf [dreg:s7], $0x5FFFF;
	_ =	strace $0x90000046  }
0xb8: {  	s29 =	simm.s32 $0x9;
	_ =	strace $0x80000048  }
0xb9: {  	_ =	swait.ge [sflag:s29], $0x1  }
0xba: {  	[sflag:s29] =	ssyncadd.s32 $0xFFFFFFFF  }
0xbb: {  	_ =	strace $0x90000048  }
0xbc: {  	_ =	sfence  }
0xbd: {  	s30 =	sld [smem:$0x0];
	_ =	sdelay $0x2  }
0xbe: {  	s31 =	sshll.u32 s1, $0xD;
	s1 =	sshrl.u32 s1, $0x2  }
0xbf: {  	s3 =	sand.u32 $0x4000, s31;
	s1 =	sadd.s32 s1, s30  }
0xc0: {  	s0 =	sor.u32 s3, s0;
	s1 =	sshll.u32 s1, $0x11  }
0xc1: {  	s0 =	sor.u32 s1, s0  }
0xc2: {  	s0 =	sadd.s32 $0x8F2B, s0  }
0xc3: {  	[sflag:s0] =	ssyncadd.remote.s32 $0x1  }
0xc4: {  	_ =	sfence.sel $0xFFFF  }
0xc5: {  	[dreg:$0x0] =	wrdreg $0xFFFFFFFF;
	(pc) =	sbr.abs _section_cstart, $3  }
0xc6: {  	[dreg:$0x1] =	wrdreg $0xFFFFFFFF  }
0xc7: {  	_ =	task.clear_ibuf [dreg:s7], $0x2FFFF;
	_ =	strace $0x9FFFFFFF  }
0xc8: {  	(tm) =	ssettm $0x7FFFFFFF  }
0xc9: {  	_ =	shalt  }
tec
execute0_lowered:
.L_overlay_start_1:
0x0: {  	(tag) =	ssettag $0x1  }
0x1: {  	s1 =	rddreg [dreg:$0x0]  }
0x2: {  	s0 =	rddreg [dreg:$0x1];
	s2 =	srdreg.scid;
	s3 =	simm.s32 $0x0  }
0x3: {  	s4 =	stileid.u32;
	s12 =	simm.s32 $0x1;
	s14 =	simm.s32 $0x900  }
0x4: {  	s15 =	simm.s32 $0x1100;
	s16 =	simm.s32 $0x1900;
	s17 =	simm.s32 $0x2100  }
0x5: {  	s18 =	simm.s32 $0x2900;
	s19 =	simm.s32 $0x3100;
	s20 =	simm.s32 $0x3900  }
0x6: {  	s21 =	simm.s32 $0x4100;
	s22 =	simm.s32 $0x4900;
	s23 =	simm.s32 $0x5100  }
0x7: {  	s28 =	simm.s32 $0x7100;
	s29 =	simm.s32 $0x7900;
	s30 =	simm.s32 $0x8100  }
0x8: {  	s31 =	simm.s32 $0x8900;
	s9 =	simm.s32 $0xB100;
	s10 =	simm.s32 $0xB900  }
0x9: {  	s11 =	simm.s32 $0xC100;
	s2 =	sand.u32 $0x1, s2;
	[smem:$0x7FF] =	sst s3  }
0xa: {  	s4 =	sshll.u32 s4, $0xA;
	s24 =	sadd.s32 $0x40000, s1;
	s5 =	sshll.u32 s2, $0x9  }
0xb: {  	_ =	strace $0x80000047;
	s2 =	ssub.s32 $0x2, s2;
	s4 =	sor.u32 s5, s4  }
0xc: {  	s6 =	sshrl.u32 s2, $0x1;
	s7 =	sshrl.u32 s4, $0x3;
	s8 =	sshll.u32 s4, $0x5  }
0xd: {  	s4 =	sor.u32 $0x100, s4;
	s2 =	ssub.s32 s2, s6;
	s6 =	simm.s32 $0xC900  }
0xe: {  	s7 =	sadd.s32 s24, s7;
	s25 =	sadd.s32 s0, s8;
	s26 =	sshrl.u32 s4, $0x3  }
0xf: {  	s4 =	sshll.u32 s4, $0x5;
	s8 =	simm.s32 $0xA900;
	[dreg:$0x3] =	wrdreg s7  }
0x10: {  	[dreg:$0x4] =	wrdreg s25;
	s5 =	sadd.s32 s24, s26;
	s0 =	sadd.s32 s0, s4  }
0x11: {  	v2 =	vlaneseq.u32;
	s4 =	smax.u32 s2, $0x1;
	s24 =	simm.s32 $0x5900;
	s25 =	simm.s32 $0x6100  }
0x12: {  	vm0 =	vmmov $0xffff;
	v1 =	vshrl.u32 v2, $0x3;
	s26 =	simm.s32 $0x6900;
	s2 =	simm.s32 $0x9900;
	[dreg:$0x5] =	wrdreg s5  }
0x13: {  	v0 =	vand.u32 $0x7, v2;
	v2 =	vor.u32 $0x8, v2;
	v1 =	vmul.u32 $0x8, v1;
	s7 =	simm.s32 $0xA100;
	[dreg:$0x6] =	wrdreg s0;
	s5 =	simm.s32 $0x2  }
.LBB2_1:
0x14: {  	s13 =	rddreg [dreg:$0x3]  }
0x15: {  	[tilespmem:s3], [sflag:$0x2] =	stream.linear.gather [hbm4b:s13+s3], $0x100, $0x38;
	[tilespmem:$0x10100] =	vst v63  }
0x16: {  	_ =	swait.ge [sflag:s5], $0x100  }
0x17: {  	[sflag:s5] =	ssyncset.done $0x0  }
0x18: {  	[sflag:s5] =	ssyncadd.s32 $0xFFFFFF00  }
0x19: {  	v3 =	vld [tilespmem:$0x0];
	_ =	sdelay $0x4  }
0x1a: {  	v4 =	vshll.u32 v3, $0x1  }
0x1b: {  	v3 =	vand.u32 $0x7, v3;
	v4 =	vand.u32 $0xFFFFFFF0, v4  }
0x1c: {  	v3 =	vor.u32 v3, v4  }
0x1d: {  	v4 =	vperm.xlane v3, v0;
	_ =	sdelay $0x1  }
0x1e: {  	v3 =	vperm.xlane v3, v2;
	v4 =	vadd.s32 v1, v4;
	_ =	sdelay $0x1  }
0x1f: {  	v3 =	vadd.s32 v1, v3;
	_ =	sdelay $0x1  }
0x20: {  	s0 =	simm.s32 $0x100  }
0x21: {  	[tilespmem:s0], [sflag:$0x1] =	stream.indirect_vreg.gather [hbm4b:s1+s3], $0x80, v4, vm0, $0xb8;
	[tilespmem:$0x10100] =	vst v63  }
0x22: {  	_ = 	snop  }
0x23: {  	[tilespmem:s14], [sflag:$0x1] =	stream.indirect_vreg.gather [hbm4b:s1+s3], $0x80, v3, vm0, $0xb8;
	[tilespmem:$0x10100] =	vst v63  }
0x24: {  	v3 =	vld [tilespmem:$0x10];
	_ =	sdelay $0x4  }
0x25: {  	v33 =	vshll.u32 v3, $0x1  }
0x26: {  	v3 =	vand.u32 $0x7, v3;
	v4 =	vand.u32 $0xFFFFFFF0, v33  }
0x27: {  	v3 =	vor.u32 v3, v4  }
0x28: {  	v4 =	vperm.xlane v3, v0;
	_ =	sdelay $0x1  }
0x29: {  	v3 =	vperm.xlane v3, v2;
	v4 =	vadd.s32 v1, v4;
	_ =	sdelay $0x1  }
0x2a: {  	v3 =	vadd.s32 v1, v3;
	_ =	sdelay $0x2  }
0x2b: {  	[tilespmem:s15], [sflag:$0x1] =	stream.indirect_vreg.gather [hbm4b:s1+s3], $0x80, v4, vm0, $0xb8;
	[tilespmem:$0x10100] =	vst v63  }
0x2c: {  	_ = 	snop  }
0x2d: {  	[tilespmem:s16], [sflag:$0x1] =	stream.indirect_vreg.gather [hbm4b:s1+s3], $0x80, v3, vm0, $0xb8;
	[tilespmem:$0x10100] =	vst v63  }
0x2e: {  	v3 =	vld [tilespmem:$0x20];
	_ =	sdelay $0x4  }
0x2f: {  	v34 =	vshll.u32 v3, $0x1  }
0x30: {  	v3 =	vand.u32 $0x7, v3;
	v4 =	vand.u32 $0xFFFFFFF0, v34  }
0x31: {  	v3 =	vor.u32 v3, v4  }
0x32: {  	v4 =	vperm.xlane v3, v0;
	_ =	sdelay $0x1  }
0x33: {  	v3 =	vperm.xlane v3, v2;
	v4 =	vadd.s32 v1, v4;
	_ =	sdelay $0x1  }
0x34: {  	v3 =	vadd.s32 v1, v3;
	_ =	sdelay $0x2  }
0x35: {  	[tilespmem:s17], [sflag:$0x1] =	stream.indirect_vreg.gather [hbm4b:s1+s3], $0x80, v4, vm0, $0xb8;
	[tilespmem:$0x10100] =	vst v63  }
0x36: {  	_ = 	snop  }
0x37: {  	[tilespmem:s18], [sflag:$0x1] =	stream.indirect_vreg.gather [hbm4b:s1+s3], $0x80, v3, vm0, $0xb8;
	[tilespmem:$0x10100] =	vst v63  }
0x38: {  	v3 =	vld [tilespmem:$0x30];
	_ =	sdelay $0x4  }
0x39: {  	v35 =	vshll.u32 v3, $0x1  }
0x3a: {  	v3 =	vand.u32 $0x7, v3;
	v4 =	vand.u32 $0xFFFFFFF0, v35  }
0x3b: {  	v3 =	vor.u32 v3, v4  }
0x3c: {  	v4 =	vperm.xlane v3, v0;
	_ =	sdelay $0x1  }
0x3d: {  	v3 =	vperm.xlane v3, v2;
	v4 =	vadd.s32 v1, v4;
	_ =	sdelay $0x1  }
0x3e: {  	v3 =	vadd.s32 v1, v3;
	_ =	sdelay $0x2  }
0x3f: {  	[tilespmem:s19], [sflag:$0x1] =	stream.indirect_vreg.gather [hbm4b:s1+s3], $0x80, v4, vm0, $0xb8;
	[tilespmem:$0x10100] =	vst v63  }
0x40: {  	_ = 	snop  }
0x41: {  	[tilespmem:s20], [sflag:$0x1] =	stream.indirect_vreg.gather [hbm4b:s1+s3], $0x80, v3, vm0, $0xb8;
	[tilespmem:$0x10100] =	vst v63  }
0x42: {  	v3 =	vld [tilespmem:$0x40];
	_ =	sdelay $0x4  }
0x43: {  	v36 =	vshll.u32 v3, $0x1  }
0x44: {  	v3 =	vand.u32 $0x7, v3;
	v4 =	vand.u32 $0xFFFFFFF0, v36  }
0x45: {  	v3 =	vor.u32 v3, v4  }
0x46: {  	v4 =	vperm.xlane v3, v0;
	_ =	sdelay $0x1  }
0x47: {  	v3 =	vperm.xlane v3, v2;
	v4 =	vadd.s32 v1, v4;
	_ =	sdelay $0x1  }
0x48: {  	v3 =	vadd.s32 v1, v3;
	_ =	sdelay $0x2  }
0x49: {  	[tilespmem:s21], [sflag:$0x1] =	stream.indirect_vreg.gather [hbm4b:s1+s3], $0x80, v4, vm0, $0xb8;
	[tilespmem:$0x10100] =	vst v63  }
0x4a: {  	_ = 	snop  }
0x4b: {  	[tilespmem:s22], [sflag:$0x1] =	stream.indirect_vreg.gather [hbm4b:s1+s3], $0x80, v3, vm0, $0xb8;
	[tilespmem:$0x10100] =	vst v63  }
0x4c: {  	v3 =	vld [tilespmem:$0x50];
	_ =	sdelay $0x4  }
0x4d: {  	v37 =	vshll.u32 v3, $0x1  }
0x4e: {  	v3 =	vand.u32 $0x7, v3;
	v4 =	vand.u32 $0xFFFFFFF0, v37  }
0x4f: {  	v3 =	vor.u32 v3, v4  }
0x50: {  	v4 =	vperm.xlane v3, v0;
	_ =	sdelay $0x1  }
0x51: {  	v3 =	vperm.xlane v3, v2;
	v4 =	vadd.s32 v1, v4;
	_ =	sdelay $0x1  }
0x52: {  	v3 =	vadd.s32 v1, v3;
	_ =	sdelay $0x2  }
0x53: {  	[tilespmem:s23], [sflag:$0x1] =	stream.indirect_vreg.gather [hbm4b:s1+s3], $0x80, v4, vm0, $0xb8;
	[tilespmem:$0x10100] =	vst v63  }
0x54: {  	_ = 	snop  }
0x55: {  	[tilespmem:s24], [sflag:$0x1] =	stream.indirect_vreg.gather [hbm4b:s1+s3], $0x80, v3, vm0, $0xb8;
	[tilespmem:$0x10100] =	vst v63  }
0x56: {  	v3 =	vld [tilespmem:$0x60];
	_ =	sdelay $0x4  }
0x57: {  	v38 =	vshll.u32 v3, $0x1  }
0x58: {  	v3 =	vand.u32 $0x7, v3;
	v4 =	vand.u32 $0xFFFFFFF0, v38  }
0x59: {  	v3 =	vor.u32 v3, v4  }
0x5a: {  	v4 =	vperm.xlane v3, v0;
	_ =	sdelay $0x1  }
0x5b: {  	v3 =	vperm.xlane v3, v2;
	v4 =	vadd.s32 v1, v4;
	_ =	sdelay $0x1  }
0x5c: {  	v3 =	vadd.s32 v1, v3;
	_ =	sdelay $0x2  }
0x5d: {  	[tilespmem:s25], [sflag:$0x1] =	stream.indirect_vreg.gather [hbm4b:s1+s3], $0x80, v4, vm0, $0xb8;
	[tilespmem:$0x10100] =	vst v63  }
0x5e: {  	_ = 	snop  }
0x5f: {  	[tilespmem:s26], [sflag:$0x1] =	stream.indirect_vreg.gather [hbm4b:s1+s3], $0x80, v3, vm0, $0xb8;
	[tilespmem:$0x10100] =	vst v63  }
0x60: {  	v3 =	vld [tilespmem:$0x70];
	_ =	sdelay $0x4  }
0x61: {  	v39 =	vshll.u32 v3, $0x1  }
0x62: {  	v3 =	vand.u32 $0x7, v3;
	v4 =	vand.u32 $0xFFFFFFF0, v39  }
0x63: {  	v3 =	vor.u32 v3, v4  }
0x64: {  	v4 =	vperm.xlane v3, v0;
	_ =	sdelay $0x1  }
0x65: {  	v3 =	vperm.xlane v3, v2;
	v4 =	vadd.s32 v1, v4;
	_ =	sdelay $0x1  }
0x66: {  	v3 =	vadd.s32 v1, v3;
	_ =	sdelay $0x2  }
0x67: {  	[tilespmem:s28], [sflag:$0x1] =	stream.indirect_vreg.gather [hbm4b:s1+s3], $0x80, v4, vm0, $0xb8;
	[tilespmem:$0x10100] =	vst v63  }
0x68: {  	_ = 	snop  }
0x69: {  	[tilespmem:s29], [sflag:$0x1] =	stream.indirect_vreg.gather [hbm4b:s1+s3], $0x80, v3, vm0, $0xb8;
	[tilespmem:$0x10100] =	vst v63  }
0x6a: {  	v3 =	vld [tilespmem:$0x80];
	_ =	sdelay $0x4  }
0x6b: {  	v40 =	vshll.u32 v3, $0x1  }
0x6c: {  	v3 =	vand.u32 $0x7, v3;
	v4 =	vand.u32 $0xFFFFFFF0, v40  }
0x6d: {  	v3 =	vor.u32 v3, v4  }
0x6e: {  	v4 =	vperm.xlane v3, v0;
	_ =	sdelay $0x1  }
0x6f: {  	v3 =	vperm.xlane v3, v2;
	v4 =	vadd.s32 v1, v4;
	_ =	sdelay $0x1  }
0x70: {  	v3 =	vadd.s32 v1, v3;
	_ =	sdelay $0x2  }
0x71: {  	[tilespmem:s30], [sflag:$0x1] =	stream.indirect_vreg.gather [hbm4b:s1+s3], $0x80, v4, vm0, $0xb8;
	[tilespmem:$0x10100] =	vst v63  }
0x72: {  	_ = 	snop  }
0x73: {  	[tilespmem:s31], [sflag:$0x1] =	stream.indirect_vreg.gather [hbm4b:s1+s3], $0x80, v3, vm0, $0xb8;
	[tilespmem:$0x10100] =	vst v63  }
0x74: {  	v3 =	vld [tilespmem:$0x90];
	_ =	sdelay $0x4  }
0x75: {  	v41 =	vshll.u32 v3, $0x1  }
0x76: {  	v3 =	vand.u32 $0x7, v3;
	v4 =	vand.u32 $0xFFFFFFF0, v41  }
0x77: {  	v3 =	vor.u32 v3, v4  }
0x78: {  	v4 =	vperm.xlane v3, v0;
	_ =	sdelay $0x1  }
0x79: {  	v3 =	vperm.xlane v3, v2;
	v4 =	vadd.s32 v1, v4;
	_ =	sdelay $0x1  }
0x7a: {  	v3 =	vadd.s32 v1, v3;
	_ =	sdelay $0x1  }
0x7b: {  	s13 =	simm.s32 $0x9100  }
0x7c: {  	[tilespmem:s13], [sflag:$0x1] =	stream.indirect_vreg.gather [hbm4b:s1+s3], $0x80, v4, vm0, $0xb8;
	[tilespmem:$0x10100] =	vst v63  }
0x7d: {  	_ = 	snop  }
0x7e: {  	[tilespmem:s2], [sflag:$0x1] =	stream.indirect_vreg.gather [hbm4b:s1+s3], $0x80, v3, vm0, $0xb8;
	[tilespmem:$0x10100] =	vst v63  }
0x7f: {  	v3 =	vld [tilespmem:$0xA0];
	_ =	sdelay $0x4  }
0x80: {  	v42 =	vshll.u32 v3, $0x1  }
0x81: {  	v3 =	vand.u32 $0x7, v3;
	v4 =	vand.u32 $0xFFFFFFF0, v42  }
0x82: {  	v3 =	vor.u32 v3, v4  }
0x83: {  	v4 =	vperm.xlane v3, v0;
	_ =	sdelay $0x1  }
0x84: {  	v3 =	vperm.xlane v3, v2;
	v4 =	vadd.s32 v1, v4;
	_ =	sdelay $0x1  }
0x85: {  	v3 =	vadd.s32 v1, v3;
	_ =	sdelay $0x2  }
0x86: {  	[tilespmem:s7], [sflag:$0x1] =	stream.indirect_vreg.gather [hbm4b:s1+s3], $0x80, v4, vm0, $0xb8;
	[tilespmem:$0x10100] =	vst v63  }
0x87: {  	_ = 	snop  }
0x88: {  	[tilespmem:s8], [sflag:$0x1] =	stream.indirect_vreg.gather [hbm4b:s1+s3], $0x80, v3, vm0, $0xb8;
	[tilespmem:$0x10100] =	vst v63  }
0x89: {  	v3 =	vld [tilespmem:$0xB0];
	_ =	sdelay $0x4  }
0x8a: {  	v43 =	vshll.u32 v3, $0x1  }
0x8b: {  	v3 =	vand.u32 $0x7, v3;
	v4 =	vand.u32 $0xFFFFFFF0, v43  }
0x8c: {  	v3 =	vor.u32 v3, v4  }
0x8d: {  	v4 =	vperm.xlane v3, v0;
	_ =	sdelay $0x1  }
0x8e: {  	v3 =	vperm.xlane v3, v2;
	v4 =	vadd.s32 v1, v4;
	_ =	sdelay $0x1  }
0x8f: {  	v3 =	vadd.s32 v1, v3;
	_ =	sdelay $0x2  }
0x90: {  	[tilespmem:s9], [sflag:$0x1] =	stream.indirect_vreg.gather [hbm4b:s1+s3], $0x80, v4, vm0, $0xb8;
	[tilespmem:$0x10100] =	vst v63  }
0x91: {  	_ = 	snop  }
0x92: {  	[tilespmem:s10], [sflag:$0x1] =	stream.indirect_vreg.gather [hbm4b:s1+s3], $0x80, v3, vm0, $0xb8;
	[tilespmem:$0x10100] =	vst v63  }
0x93: {  	v3 =	vld [tilespmem:$0xC0];
	_ =	sdelay $0x4  }
0x94: {  	v44 =	vshll.u32 v3, $0x1  }
0x95: {  	v3 =	vand.u32 $0x7, v3;
	v4 =	vand.u32 $0xFFFFFFF0, v44  }
0x96: {  	v3 =	vor.u32 v3, v4  }
0x97: {  	v4 =	vperm.xlane v3, v0;
	_ =	sdelay $0x1  }
0x98: {  	v3 =	vperm.xlane v3, v2;
	v4 =	vadd.s32 v1, v4;
	_ =	sdelay $0x1  }
0x99: {  	v3 =	vadd.s32 v1, v3;
	_ =	sdelay $0x2  }
0x9a: {  	[tilespmem:s11], [sflag:$0x1] =	stream.indirect_vreg.gather [hbm4b:s1+s3], $0x80, v4, vm0, $0xb8;
	[tilespmem:$0x10100] =	vst v63  }
0x9b: {  	_ = 	snop  }
0x9c: {  	[tilespmem:s6], [sflag:$0x1] =	stream.indirect_vreg.gather [hbm4b:s1+s3], $0x80, v3, vm0, $0xb8;
	[tilespmem:$0x10100] =	vst v63  }
0x9d: {  	v3 =	vld [tilespmem:$0xD0];
	_ =	sdelay $0x4  }
0x9e: {  	v45 =	vshll.u32 v3, $0x1  }
0x9f: {  	v3 =	vand.u32 $0x7, v3;
	v4 =	vand.u32 $0xFFFFFFF0, v45  }
0xa0: {  	v3 =	vor.u32 v3, v4  }
0xa1: {  	v4 =	vperm.xlane v3, v0;
	_ =	sdelay $0x1  }
0xa2: {  	v3 =	vperm.xlane v3, v2;
	v4 =	vadd.s32 v1, v4;
	_ =	sdelay $0x1  }
0xa3: {  	v3 =	vadd.s32 v1, v3;
	_ =	sdelay $0x1  }
0xa4: {  	s13 =	simm.s32 $0xD100  }
0xa5: {  	[tilespmem:s13], [sflag:$0x1] =	stream.indirect_vreg.gather [hbm4b:s1+s3], $0x80, v4, vm0, $0xb8;
	[tilespmem:$0x10100] =	vst v63  }
0xa6: {  	s13 =	simm.s32 $0xD900  }
0xa7: {  	[tilespmem:s13], [sflag:$0x1] =	stream.indirect_vreg.gather [hbm4b:s1+s3], $0x80, v3, vm0, $0xb8;
	[tilespmem:$0x10100] =	vst v63  }
0xa8: {  	v3 =	vld [tilespmem:$0xE0];
	_ =	sdelay $0x4  }
0xa9: {  	v46 =	vshll.u32 v3, $0x1  }
0xaa: {  	v3 =	vand.u32 $0x7, v3;
	v4 =	vand.u32 $0xFFFFFFF0, v46  }
0xab: {  	v3 =	vor.u32 v3, v4  }
0xac: {  	v4 =	vperm.xlane v3, v0;
	_ =	sdelay $0x1  }
0xad: {  	v3 =	vperm.xlane v3, v2;
	v4 =	vadd.s32 v1, v4;
	_ =	sdelay $0x1  }
0xae: {  	v3 =	vadd.s32 v1, v3;
	_ =	sdelay $0x1  }
0xaf: {  	s13 =	simm.s32 $0xE100  }
0xb0: {  	[tilespmem:s13], [sflag:$0x1] =	stream.indirect_vreg.gather [hbm4b:s1+s3], $0x80, v4, vm0, $0xb8;
	[tilespmem:$0x10100] =	vst v63  }
0xb1: {  	s13 =	simm.s32 $0xE900  }
0xb2: {  	[tilespmem:s13], [sflag:$0x1] =	stream.indirect_vreg.gather [hbm4b:s1+s3], $0x80, v3, vm0, $0xb8;
	[tilespmem:$0x10100] =	vst v63  }
0xb3: {  	v3 =	vld [tilespmem:$0xF0];
	_ =	sdelay $0x4  }
0xb4: {  	v47 =	vshll.u32 v3, $0x1  }
0xb5: {  	v3 =	vand.u32 $0x7, v3;
	v4 =	vand.u32 $0xFFFFFFF0, v47  }
0xb6: {  	v3 =	vor.u32 v3, v4  }
0xb7: {  	v4 =	vperm.xlane v3, v0;
	_ =	sdelay $0x1  }
0xb8: {  	v3 =	vperm.xlane v3, v2;
	v4 =	vadd.s32 v1, v4;
	_ =	sdelay $0x1  }
0xb9: {  	v3 =	vadd.s32 v1, v3;
	_ =	sdelay $0x1  }
0xba: {  	s13 =	simm.s32 $0xF100  }
0xbb: {  	[tilespmem:s13], [sflag:$0x1] =	stream.indirect_vreg.gather [hbm4b:s1+s3], $0x80, v4, vm0, $0xb8;
	[tilespmem:$0x10100] =	vst v63  }
0xbc: {  	s13 =	simm.s32 $0xF900  }
0xbd: {  	[tilespmem:s13], [sflag:$0x1] =	stream.indirect_vreg.gather [hbm4b:s1+s3], $0x80, v3, vm0, $0xb8;
	[tilespmem:$0x10100] =	vst v63  }
0xbe: {  	_ =	swait.ge [sflag:s12], $0x10000  }
0xbf: {  	[sflag:s12] =	ssyncset.done $0x0  }
0xc0: {  	s0 =	simm.s32 $0x100;
	s13 =	rddreg [dreg:$0x4];
	[sflag:s12] =	ssyncadd.s32 $0xFFFF0000  }
0xc1: {  	[hbm4b:s13+s3] =	stream.linear.scatter [tilespmem:s0], [sflag:$0x2], $0x10000, $0x38;
	[tilespmem:$0x10100] =	vst v63  }
0xc2: {  	_ =	swait.ge [sflag:s5], $0x10000  }
0xc3: {  	[sflag:s5] =	ssyncset.done $0x0  }
0xc4: {  	s13 =	rddreg [dreg:$0x5];
	[sflag:s5] =	ssyncadd.s32 $0xFFFF0000  }
0xc5: {  	[tilespmem:s3], [sflag:$0x2] =	stream.linear.gather [hbm4b:s13+s3], $0x100, $0x38;
	[tilespmem:$0x10100] =	vst v63  }
0xc6: {  	_ =	swait.ge [sflag:s5], $0x100  }
0xc7: {  	[sflag:s5] =	ssyncset.done $0x0  }
0xc8: {  	[sflag:s5] =	ssyncadd.s32 $0xFFFFFF00  }
0xc9: {  	v3 =	vld [tilespmem:$0x0];
	_ =	sdelay $0x4  }
0xca: {  	v48 =	vshll.u32 v3, $0x1  }
0xcb: {  	v3 =	vand.u32 $0x7, v3;
	v4 =	vand.u32 $0xFFFFFFF0, v48  }
0xcc: {  	v3 =	vor.u32 v3, v4  }
0xcd: {  	v4 =	vperm.xlane v3, v0;
	_ =	sdelay $0x1  }
0xce: {  	v3 =	vperm.xlane v3, v2;
	v4 =	vadd.s32 v1, v4;
	_ =	sdelay $0x1  }
0xcf: {  	v3 =	vadd.s32 v1, v3;
	_ =	sdelay $0x2  }
0xd0: {  	[tilespmem:s0], [sflag:$0x1] =	stream.indirect_vreg.gather [hbm4b:s1+s3], $0x80, v4, vm0, $0xb8;
	[tilespmem:$0x10100] =	vst v63  }
0xd1: {  	_ = 	snop  }
0xd2: {  	[tilespmem:s14], [sflag:$0x1] =	stream.indirect_vreg.gather [hbm4b:s1+s3], $0x80, v3, vm0, $0xb8;
	[tilespmem:$0x10100] =	vst v63  }
0xd3: {  	v3 =	vld [tilespmem:$0x10];
	_ =	sdelay $0x4  }
0xd4: {  	v49 =	vshll.u32 v3, $0x1  }
0xd5: {  	v3 =	vand.u32 $0x7, v3;
	v4 =	vand.u32 $0xFFFFFFF0, v49  }
0xd6: {  	v3 =	vor.u32 v3, v4  }
0xd7: {  	v4 =	vperm.xlane v3, v0;
	_ =	sdelay $0x1  }
0xd8: {  	v3 =	vperm.xlane v3, v2;
	v4 =	vadd.s32 v1, v4;
	_ =	sdelay $0x1  }
0xd9: {  	v3 =	vadd.s32 v1, v3;
	_ =	sdelay $0x2  }
0xda: {  	[tilespmem:s15], [sflag:$0x1] =	stream.indirect_vreg.gather [hbm4b:s1+s3], $0x80, v4, vm0, $0xb8;
	[tilespmem:$0x10100] =	vst v63  }
0xdb: {  	_ = 	snop  }
0xdc: {  	[tilespmem:s16], [sflag:$0x1] =	stream.indirect_vreg.gather [hbm4b:s1+s3], $0x80, v3, vm0, $0xb8;
	[tilespmem:$0x10100] =	vst v63  }
0xdd: {  	v3 =	vld [tilespmem:$0x20];
	_ =	sdelay $0x4  }
0xde: {  	v50 =	vshll.u32 v3, $0x1  }
0xdf: {  	v3 =	vand.u32 $0x7, v3;
	v4 =	vand.u32 $0xFFFFFFF0, v50  }
0xe0: {  	v3 =	vor.u32 v3, v4  }
0xe1: {  	v4 =	vperm.xlane v3, v0;
	_ =	sdelay $0x1  }
0xe2: {  	v3 =	vperm.xlane v3, v2;
	v4 =	vadd.s32 v1, v4;
	_ =	sdelay $0x1  }
0xe3: {  	v3 =	vadd.s32 v1, v3;
	_ =	sdelay $0x2  }
0xe4: {  	[tilespmem:s17], [sflag:$0x1] =	stream.indirect_vreg.gather [hbm4b:s1+s3], $0x80, v4, vm0, $0xb8;
	[tilespmem:$0x10100] =	vst v63  }
0xe5: {  	_ = 	snop  }
0xe6: {  	[tilespmem:s18], [sflag:$0x1] =	stream.indirect_vreg.gather [hbm4b:s1+s3], $0x80, v3, vm0, $0xb8;
	[tilespmem:$0x10100] =	vst v63  }
0xe7: {  	v3 =	vld [tilespmem:$0x30];
	_ =	sdelay $0x4  }
0xe8: {  	v51 =	vshll.u32 v3, $0x1  }
0xe9: {  	v3 =	vand.u32 $0x7, v3;
	v4 =	vand.u32 $0xFFFFFFF0, v51  }
0xea: {  	v3 =	vor.u32 v3, v4  }
0xeb: {  	v4 =	vperm.xlane v3, v0;
	_ =	sdelay $0x1  }
0xec: {  	v3 =	vperm.xlane v3, v2;
	v4 =	vadd.s32 v1, v4;
	_ =	sdelay $0x1  }
0xed: {  	v3 =	vadd.s32 v1, v3;
	_ =	sdelay $0x2  }
0xee: {  	[tilespmem:s19], [sflag:$0x1] =	stream.indirect_vreg.gather [hbm4b:s1+s3], $0x80, v4, vm0, $0xb8;
	[tilespmem:$0x10100] =	vst v63  }
0xef: {  	_ = 	snop  }
0xf0: {  	[tilespmem:s20], [sflag:$0x1] =	stream.indirect_vreg.gather [hbm4b:s1+s3], $0x80, v3, vm0, $0xb8;
	[tilespmem:$0x10100] =	vst v63  }
0xf1: {  	v3 =	vld [tilespmem:$0x40];
	_ =	sdelay $0x4  }
0xf2: {  	v52 =	vshll.u32 v3, $0x1  }
0xf3: {  	v3 =	vand.u32 $0x7, v3;
	v4 =	vand.u32 $0xFFFFFFF0, v52  }
0xf4: {  	v3 =	vor.u32 v3, v4  }
0xf5: {  	v4 =	vperm.xlane v3, v0;
	_ =	sdelay $0x1  }
0xf6: {  	v3 =	vperm.xlane v3, v2;
	v4 =	vadd.s32 v1, v4;
	_ =	sdelay $0x1  }
0xf7: {  	v3 =	vadd.s32 v1, v3;
	_ =	sdelay $0x2  }
0xf8: {  	[tilespmem:s21], [sflag:$0x1] =	stream.indirect_vreg.gather [hbm4b:s1+s3], $0x80, v4, vm0, $0xb8;
	[tilespmem:$0x10100] =	vst v63  }
0xf9: {  	_ = 	snop  }
0xfa: {  	[tilespmem:s22], [sflag:$0x1] =	stream.indirect_vreg.gather [hbm4b:s1+s3], $0x80, v3, vm0, $0xb8;
	[tilespmem:$0x10100] =	vst v63  }
0xfb: {  	v3 =	vld [tilespmem:$0x50];
	_ =	sdelay $0x4  }
0xfc: {  	v53 =	vshll.u32 v3, $0x1  }
0xfd: {  	v3 =	vand.u32 $0x7, v3;
	v4 =	vand.u32 $0xFFFFFFF0, v53  }
0xfe: {  	v3 =	vor.u32 v3, v4  }
0xff: {  	v4 =	vperm.xlane v3, v0;
	_ =	sdelay $0x1  }
0x100: {  	v3 =	vperm.xlane v3, v2;
	v4 =	vadd.s32 v1, v4;
	_ =	sdelay $0x1  }
0x101: {  	v3 =	vadd.s32 v1, v3;
	_ =	sdelay $0x2  }
0x102: {  	[tilespmem:s23], [sflag:$0x1] =	stream.indirect_vreg.gather [hbm4b:s1+s3], $0x80, v4, vm0, $0xb8;
	[tilespmem:$0x10100] =	vst v63  }
0x103: {  	_ = 	snop  }
0x104: {  	[tilespmem:s24], [sflag:$0x1] =	stream.indirect_vreg.gather [hbm4b:s1+s3], $0x80, v3, vm0, $0xb8;
	[tilespmem:$0x10100] =	vst v63  }
0x105: {  	v3 =	vld [tilespmem:$0x60];
	_ =	sdelay $0x4  }
0x106: {  	v54 =	vshll.u32 v3, $0x1  }
0x107: {  	v3 =	vand.u32 $0x7, v3;
	v4 =	vand.u32 $0xFFFFFFF0, v54  }
0x108: {  	v3 =	vor.u32 v3, v4  }
0x109: {  	v4 =	vperm.xlane v3, v0;
	_ =	sdelay $0x1  }
0x10a: {  	v3 =	vperm.xlane v3, v2;
	v4 =	vadd.s32 v1, v4;
	_ =	sdelay $0x1  }
0x10b: {  	v3 =	vadd.s32 v1, v3;
	_ =	sdelay $0x2  }
0x10c: {  	[tilespmem:s25], [sflag:$0x1] =	stream.indirect_vreg.gather [hbm4b:s1+s3], $0x80, v4, vm0, $0xb8;
	[tilespmem:$0x10100] =	vst v63  }
0x10d: {  	_ = 	snop  }
0x10e: {  	[tilespmem:s26], [sflag:$0x1] =	stream.indirect_vreg.gather [hbm4b:s1+s3], $0x80, v3, vm0, $0xb8;
	[tilespmem:$0x10100] =	vst v63  }
0x10f: {  	v3 =	vld [tilespmem:$0x70];
	_ =	sdelay $0x4  }
0x110: {  	v55 =	vshll.u32 v3, $0x1  }
0x111: {  	v3 =	vand.u32 $0x7, v3;
	v4 =	vand.u32 $0xFFFFFFF0, v55  }
0x112: {  	v3 =	vor.u32 v3, v4  }
0x113: {  	v4 =	vperm.xlane v3, v0;
	_ =	sdelay $0x1  }
0x114: {  	v3 =	vperm.xlane v3, v2;
	v4 =	vadd.s32 v1, v4;
	_ =	sdelay $0x1  }
0x115: {  	v3 =	vadd.s32 v1, v3;
	_ =	sdelay $0x2  }
0x116: {  	[tilespmem:s28], [sflag:$0x1] =	stream.indirect_vreg.gather [hbm4b:s1+s3], $0x80, v4, vm0, $0xb8;
	[tilespmem:$0x10100] =	vst v63  }
0x117: {  	_ = 	snop  }
0x118: {  	[tilespmem:s29], [sflag:$0x1] =	stream.indirect_vreg.gather [hbm4b:s1+s3], $0x80, v3, vm0, $0xb8;
	[tilespmem:$0x10100] =	vst v63  }
0x119: {  	v3 =	vld [tilespmem:$0x80];
	_ =	sdelay $0x4  }
0x11a: {  	v56 =	vshll.u32 v3, $0x1  }
0x11b: {  	v3 =	vand.u32 $0x7, v3;
	v4 =	vand.u32 $0xFFFFFFF0, v56  }
0x11c: {  	v3 =	vor.u32 v3, v4  }
0x11d: {  	v4 =	vperm.xlane v3, v0;
	_ =	sdelay $0x1  }
0x11e: {  	v3 =	vperm.xlane v3, v2;
	v4 =	vadd.s32 v1, v4;
	_ =	sdelay $0x1  }
0x11f: {  	v3 =	vadd.s32 v1, v3;
	_ =	sdelay $0x2  }
0x120: {  	[tilespmem:s30], [sflag:$0x1] =	stream.indirect_vreg.gather [hbm4b:s1+s3], $0x80, v4, vm0, $0xb8;
	[tilespmem:$0x10100] =	vst v63  }
0x121: {  	_ = 	snop  }
0x122: {  	[tilespmem:s31], [sflag:$0x1] =	stream.indirect_vreg.gather [hbm4b:s1+s3], $0x80, v3, vm0, $0xb8;
	[tilespmem:$0x10100] =	vst v63  }
0x123: {  	v3 =	vld [tilespmem:$0x90];
	_ =	sdelay $0x4  }
0x124: {  	v57 =	vshll.u32 v3, $0x1  }
0x125: {  	v3 =	vand.u32 $0x7, v3;
	v4 =	vand.u32 $0xFFFFFFF0, v57  }
0x126: {  	v3 =	vor.u32 v3, v4  }
0x127: {  	v4 =	vperm.xlane v3, v0;
	_ =	sdelay $0x1  }
0x128: {  	v3 =	vperm.xlane v3, v2;
	v4 =	vadd.s32 v1, v4;
	_ =	sdelay $0x1  }
0x129: {  	v3 =	vadd.s32 v1, v3;
	_ =	sdelay $0x1  }
0x12a: {  	s13 =	simm.s32 $0x9100  }
0x12b: {  	[tilespmem:s13], [sflag:$0x1] =	stream.indirect_vreg.gather [hbm4b:s1+s3], $0x80, v4, vm0, $0xb8;
	[tilespmem:$0x10100] =	vst v63  }
0x12c: {  	_ = 	snop  }
0x12d: {  	[tilespmem:s2], [sflag:$0x1] =	stream.indirect_vreg.gather [hbm4b:s1+s3], $0x80, v3, vm0, $0xb8;
	[tilespmem:$0x10100] =	vst v63  }
0x12e: {  	v3 =	vld [tilespmem:$0xA0];
	_ =	sdelay $0x4  }
0x12f: {  	v58 =	vshll.u32 v3, $0x1  }
0x130: {  	v3 =	vand.u32 $0x7, v3;
	v4 =	vand.u32 $0xFFFFFFF0, v58  }
0x131: {  	v3 =	vor.u32 v3, v4  }
0x132: {  	v4 =	vperm.xlane v3, v0;
	_ =	sdelay $0x1  }
0x133: {  	v3 =	vperm.xlane v3, v2;
	v4 =	vadd.s32 v1, v4;
	_ =	sdelay $0x1  }
0x134: {  	v3 =	vadd.s32 v1, v3;
	_ =	sdelay $0x2  }
0x135: {  	[tilespmem:s7], [sflag:$0x1] =	stream.indirect_vreg.gather [hbm4b:s1+s3], $0x80, v4, vm0, $0xb8;
	[tilespmem:$0x10100] =	vst v63  }
0x136: {  	_ = 	snop  }
0x137: {  	[tilespmem:s8], [sflag:$0x1] =	stream.indirect_vreg.gather [hbm4b:s1+s3], $0x80, v3, vm0, $0xb8;
	[tilespmem:$0x10100] =	vst v63  }
0x138: {  	v3 =	vld [tilespmem:$0xB0];
	_ =	sdelay $0x4  }
0x139: {  	v59 =	vshll.u32 v3, $0x1  }
0x13a: {  	v3 =	vand.u32 $0x7, v3;
	v4 =	vand.u32 $0xFFFFFFF0, v59  }
0x13b: {  	v3 =	vor.u32 v3, v4  }
0x13c: {  	v4 =	vperm.xlane v3, v0;
	_ =	sdelay $0x1  }
0x13d: {  	v3 =	vperm.xlane v3, v2;
	v4 =	vadd.s32 v1, v4;
	_ =	sdelay $0x1  }
0x13e: {  	v3 =	vadd.s32 v1, v3;
	_ =	sdelay $0x2  }
0x13f: {  	[tilespmem:s9], [sflag:$0x1] =	stream.indirect_vreg.gather [hbm4b:s1+s3], $0x80, v4, vm0, $0xb8;
	[tilespmem:$0x10100] =	vst v63  }
0x140: {  	_ = 	snop  }
0x141: {  	[tilespmem:s10], [sflag:$0x1] =	stream.indirect_vreg.gather [hbm4b:s1+s3], $0x80, v3, vm0, $0xb8;
	[tilespmem:$0x10100] =	vst v63  }
0x142: {  	v3 =	vld [tilespmem:$0xC0];
	_ =	sdelay $0x4  }
0x143: {  	v60 =	vshll.u32 v3, $0x1  }
0x144: {  	v3 =	vand.u32 $0x7, v3;
	v4 =	vand.u32 $0xFFFFFFF0, v60  }
0x145: {  	v3 =	vor.u32 v3, v4  }
0x146: {  	v4 =	vperm.xlane v3, v0;
	_ =	sdelay $0x1  }
0x147: {  	v3 =	vperm.xlane v3, v2;
	v4 =	vadd.s32 v1, v4;
	_ =	sdelay $0x1  }
0x148: {  	v3 =	vadd.s32 v1, v3;
	_ =	sdelay $0x2  }
0x149: {  	[tilespmem:s11], [sflag:$0x1] =	stream.indirect_vreg.gather [hbm4b:s1+s3], $0x80, v4, vm0, $0xb8;
	[tilespmem:$0x10100] =	vst v63  }
0x14a: {  	_ = 	snop  }
0x14b: {  	[tilespmem:s6], [sflag:$0x1] =	stream.indirect_vreg.gather [hbm4b:s1+s3], $0x80, v3, vm0, $0xb8;
	[tilespmem:$0x10100] =	vst v63  }
0x14c: {  	v3 =	vld [tilespmem:$0xD0];
	_ =	sdelay $0x4  }
0x14d: {  	v61 =	vshll.u32 v3, $0x1  }
0x14e: {  	v3 =	vand.u32 $0x7, v3;
	v4 =	vand.u32 $0xFFFFFFF0, v61  }
0x14f: {  	v3 =	vor.u32 v3, v4  }
0x150: {  	v4 =	vperm.xlane v3, v0;
	_ =	sdelay $0x1  }
0x151: {  	v3 =	vperm.xlane v3, v2;
	v4 =	vadd.s32 v1, v4;
	_ =	sdelay $0x1  }
0x152: {  	v3 =	vadd.s32 v1, v3;
	_ =	sdelay $0x1  }
0x153: {  	s13 =	simm.s32 $0xD100  }
0x154: {  	[tilespmem:s13], [sflag:$0x1] =	stream.indirect_vreg.gather [hbm4b:s1+s3], $0x80, v4, vm0, $0xb8;
	[tilespmem:$0x10100] =	vst v63  }
0x155: {  	s13 =	simm.s32 $0xD900  }
0x156: {  	[tilespmem:s13], [sflag:$0x1] =	stream.indirect_vreg.gather [hbm4b:s1+s3], $0x80, v3, vm0, $0xb8;
	[tilespmem:$0x10100] =	vst v63  }
0x157: {  	v3 =	vld [tilespmem:$0xE0];
	_ =	sdelay $0x4  }
0x158: {  	v62 =	vshll.u32 v3, $0x1  }
0x159: {  	v3 =	vand.u32 $0x7, v3;
	v4 =	vand.u32 $0xFFFFFFF0, v62  }
0x15a: {  	v3 =	vor.u32 v3, v4  }
0x15b: {  	v4 =	vperm.xlane v3, v0;
	_ =	sdelay $0x1  }
0x15c: {  	v3 =	vperm.xlane v3, v2;
	v4 =	vadd.s32 v1, v4;
	_ =	sdelay $0x1  }
0x15d: {  	v3 =	vadd.s32 v1, v3;
	_ =	sdelay $0x1  }
0x15e: {  	s13 =	simm.s32 $0xE100  }
0x15f: {  	[tilespmem:s13], [sflag:$0x1] =	stream.indirect_vreg.gather [hbm4b:s1+s3], $0x80, v4, vm0, $0xb8;
	[tilespmem:$0x10100] =	vst v63  }
0x160: {  	s13 =	simm.s32 $0xE900  }
0x161: {  	[tilespmem:s13], [sflag:$0x1] =	stream.indirect_vreg.gather [hbm4b:s1+s3], $0x80, v3, vm0, $0xb8;
	[tilespmem:$0x10100] =	vst v63  }
0x162: {  	v3 =	vld [tilespmem:$0xF0];
	_ =	sdelay $0x4  }
0x163: {  	v63 =	vshll.u32 v3, $0x1  }
0x164: {  	v3 =	vand.u32 $0x7, v3;
	v4 =	vand.u32 $0xFFFFFFF0, v63  }
0x165: {  	v3 =	vor.u32 v3, v4  }
0x166: {  	v4 =	vperm.xlane v3, v0;
	_ =	sdelay $0x1  }
0x167: {  	v3 =	vperm.xlane v3, v2;
	v4 =	vadd.s32 v1, v4;
	_ =	sdelay $0x1  }
0x168: {  	v3 =	vadd.s32 v1, v3;
	_ =	sdelay $0x1  }
0x169: {  	s13 =	simm.s32 $0xF100  }
0x16a: {  	[tilespmem:s13], [sflag:$0x1] =	stream.indirect_vreg.gather [hbm4b:s1+s3], $0x80, v4, vm0, $0xb8;
	[tilespmem:$0x10100] =	vst v63  }
0x16b: {  	s13 =	simm.s32 $0xF900  }
0x16c: {  	[tilespmem:s13], [sflag:$0x1] =	stream.indirect_vreg.gather [hbm4b:s1+s3], $0x80, v3, vm0, $0xb8;
	[tilespmem:$0x10100] =	vst v63  }
0x16d: {  	_ =	swait.ge [sflag:s12], $0x10000  }
0x16e: {  	p0 =	sne.s32 s4, $0x1;
	s0 =	simm.s32 $0x100;
	[sflag:s12] =	ssyncset.done $0x0  }
.Ltmp0:
0x16f: {  	s13 =	rddreg [dreg:$0x6];
	[sflag:s12] =	ssyncadd.s32 $0xFFFF0000;
	(pc) =	sbr.rel @p0 .LBB2_1-.Ltmp0, $4  }
0x170: {  	[hbm4b:s13+s3] =	stream.linear.scatter [tilespmem:s0], [sflag:$0x2], $0x10000, $0x38;
	[tilespmem:$0x10100] =	vst v63  }
0x171: {  	_ =	swait.ge [sflag:s5], $0x10000  }
0x172: {  	[sflag:s5] =	ssyncset.done $0x0  }
0x173: {  	s4 =	sadd.s32 $0xFFFFFFFF, s4;
	[sflag:s5] =	ssyncadd.s32 $0xFFFF0000  }
0x174: {  	_ =	sfence.sel $0x180000  }
0x175: {  	[bflag:$0x0] =	sbarrier.arrive $0xFFFF  }
0x176: {  	_ =	strace $0x90000047  }
0x177: {  	s0 =	stileid.u32;
	[bflag:$0x2] =	sbarrier.arrive $0xFFFF  }
0x178: {  	p0 =	sne.s32 s0, $0x0;
	s0 =	rddreg [dreg:$0x2]  }
0x179: {  	s0 =	sadd.s32 @!p0 $0x100000, s0  }
0x17a: {  	[sflag:s0] =	ssyncadd.tile.s32 @!p0 $0x1;
	_ =	shalt  }
.Lfunc_end2:
_tile_overlayer_lowered:
.L_overlay_start_2:
0x17b: {  	(tag) =	ssettag $0x2  }
0x17c: {  	s0 =	rddreg [dreg:$0x0];
	s2 =	stileid.u32  }
0x17d: {  	s1 =	rddreg [dreg:$0x1];
	p0 =	sne.s32 s2, $0x0  }
0x17e: {  	s3 =	rddreg [dreg:$0x2];
	[bflag:$0x3] =	sbarrier.arrive $0xFFFF;
	s2 =	simm.s32 @!p0 $0x1C02  }
0x17f: {  	[timem:s3], [sflag:s2] =	dma.local @!p0 [hbm:s0], s1  }
0x180: {  	s0 =	simm.s32 @!p0 $0x2  }
0x181: {  	_ =	swait.ge @!p0 [sflag:s0], s1  }
0x182: {  	s1 =	ssub.s32 @!p0 $0x0, s1;
	[sflag:s0] =	ssyncset.done @!p0 $0x0  }
0x183: {  	[sflag:s0] =	ssyncadd.s32 @!p0 s1  }
0x184: {  	[bflag:$0x3] =	sbarrier.arrive $0xFFFF  }
0x185: {  	_ =	shalt  }

</sc_bundles>
